<compile_context>
chip_gen: v7x
topology: tpu7x:2x2x1
jax: 0.10.2.dev20260603
libtpu: 0.0.44.dev20260713+nightly
codegen_flags: <defaults>
</compile_context>

<pallas_src>
import functools

import jax
import jax.numpy as jnp
from jax import lax
from jax.experimental import pallas as pl
from jax.experimental.pallas import tpu as pltpu
from jax.experimental.pallas import tpu_sc as plsc

LR = 0.001
ANTI = 0.4
PRECISION_FLOOR = 1e-30

B = 16384
D = 128
O = 1024

BT = 1024
GRID = B // BT

NW = 32
ROWS_PER_W = B // NW
CH = 128
NCH = ROWS_PER_W // CH
ZROWS = O // 16


def _matmul_top2_body(x_ref, w_ref, y_ref, a1_ref, a2_ref, eye_ref):
    i = pl.program_id(0)

    @pl.when(i == 0)
    def _build_eye():
        r = lax.broadcasted_iota(jnp.int32, (BT, BT), 0)
        c = lax.broadcasted_iota(jnp.int32, (BT, BT), 1)
        eye_ref[...] = (r == c).astype(jnp.float32)

    x = x_ref[...]
    w = w_ref[...]
    t = lax.dot_general(x, w, (((1,), (1,)), ((), ())),
                        preferred_element_type=jnp.float32)
    y_ref[...] = t
    iota_f = lax.broadcasted_iota(jnp.int32, (BT, O), 1).astype(jnp.float32)
    v1 = jnp.max(t, axis=1, keepdims=True)
    a1f = jnp.max(jnp.where(t == v1, iota_f, -1.0), axis=1, keepdims=True)
    t2 = jnp.where(iota_f == a1f, -jnp.inf, t)
    v2 = jnp.max(t2, axis=1, keepdims=True)
    a2f = jnp.max(jnp.where(t2 == v2, iota_f, -1.0), axis=1, keepdims=True)
    hi1 = jnp.floor(a1f * (1.0 / 32.0))
    lo1 = a1f - hi1 * 32.0
    hi2 = jnp.floor(a2f * (1.0 / 32.0))
    lo2 = a2f - hi2 * 32.0
    ab = jnp.concatenate([hi1, lo1, hi2, lo2], axis=1)
    abr = lax.dot_general(ab, eye_ref[...], (((0,), (0,)), ((), ())),
                          preferred_element_type=jnp.float32)
    rows = BT // CH
    a1_ref[pl.ds(i * rows, rows)] = (
        abr[0:1] * 32.0 + abr[1:2]).astype(jnp.int32).reshape(rows, CH)
    a2_ref[pl.ds(i * rows, rows)] = (
        abr[2:3] * 32.0 + abr[3:4]).astype(jnp.int32).reshape(rows, CH)


_matmul_top2 = pl.pallas_call(
    _matmul_top2_body,
    grid=(GRID,),
    in_specs=[
        pl.BlockSpec((BT, D), lambda i: (i, 0)),
        pl.BlockSpec((O, D), lambda i: (0, 0)),
    ],
    out_specs=[
        pl.BlockSpec((BT, O), lambda i: (i, 0)),
        pl.BlockSpec((B // CH, CH), lambda i: (0, 0)),
        pl.BlockSpec((B // CH, CH), lambda i: (0, 0)),
    ],
    out_shape=[
        jax.ShapeDtypeStruct((B, O), jnp.float32),
        jax.ShapeDtypeStruct((B // CH, CH), jnp.int32),
        jax.ShapeDtypeStruct((B // CH, CH), jnp.int32),
    ],
    scratch_shapes=[pltpu.VMEM((BT, BT), jnp.float32)],
)


def _scatter_body(x_hbm, a1_hbm, a2_hbm, out1_hbm, out2_hbm,
                  idx1_v, idx2_v, xrows_v, zero_v, acc1_sh, acc2_sh, xsems):
    cid = lax.axis_index("c")
    sid = lax.axis_index("s")
    wid = cid * 16 + sid
    base = wid * ROWS_PER_W

    xcopies = [
        pltpu.async_copy(x_hbm.at[pl.ds(base + j * CH, CH)],
                         xrows_v.at[pl.ds(j * CH, CH)], xsems.at[j])
        for j in range(NCH)
    ]

    pltpu.sync_copy(a1_hbm.at[pl.ds(wid * NCH, NCH)], idx1_v)
    pltpu.sync_copy(a2_hbm.at[pl.ds(wid * NCH, NCH)], idx2_v)

    def _zero_row(i, carry):
        for j in range(D // 16):
            zero_v[i, pl.ds(j * 16, 16)] = jnp.zeros((16,), jnp.float32)
        return carry
    lax.fori_loop(0, ZROWS, _zero_row, 0)

    pltpu.sync_copy(zero_v, acc1_sh.at[pl.ds(sid * ZROWS, ZROWS)])
    pltpu.sync_copy(zero_v, acc2_sh.at[pl.ds(sid * ZROWS, ZROWS)])

    plsc.subcore_barrier()

    for j in range(NCH):
        xcopies[j].wait()
        pltpu.sync_copy(xrows_v.at[pl.ds(j * CH, CH)],
                        acc1_sh.at[idx1_v.at[j]], add=True)
        pltpu.sync_copy(xrows_v.at[pl.ds(j * CH, CH)],
                        acc2_sh.at[idx2_v.at[j]], add=True)

    plsc.subcore_barrier()

    pltpu.sync_copy(acc1_sh.at[pl.ds(sid * ZROWS, ZROWS)],
                    out1_hbm.at[cid, pl.ds(sid * ZROWS, ZROWS)])
    pltpu.sync_copy(acc2_sh.at[pl.ds(sid * ZROWS, ZROWS)],
                    out2_hbm.at[cid, pl.ds(sid * ZROWS, ZROWS)])


@functools.cache
def _scatter_accumulate():
    return functools.partial(
        pl.kernel,
        out_type=[
            jax.ShapeDtypeStruct((2, O, D), jnp.float32),
            jax.ShapeDtypeStruct((2, O, D), jnp.float32),
        ],
        mesh=plsc.VectorSubcoreMesh(core_axis_name="c", subcore_axis_name="s"),
        scratch_types=[
            pltpu.VMEM((NCH, CH), jnp.int32),
            pltpu.VMEM((NCH, CH), jnp.int32),
            pltpu.VMEM((ROWS_PER_W, D), jnp.float32),
            pltpu.VMEM((ZROWS, D), jnp.float32),
            pltpu.VMEM_SHARED((O, D), jnp.float32),
            pltpu.VMEM_SHARED((O, D), jnp.float32),
            pltpu.SemaphoreType.DMA((NCH,)),
        ],
    )(_scatter_body)


def _finalize_body(w_ref, acc1_ref, acc2_ref, neww_ref):
    w = w_ref[...]
    s1 = acc1_ref[0] + acc1_ref[1]
    s2 = acc2_ref[0] + acc2_ref[1]
    dsb = s1 - ANTI * s2
    xx = jnp.sum(w * dsb, axis=1, keepdims=True)
    ds = dsb - xx * w
    nc = jnp.maximum(jnp.max(jnp.abs(ds)), PRECISION_FLOOR)
    neww_ref[...] = w + LR * (ds / nc)


_finalize = pl.pallas_call(
    _finalize_body,
    out_shape=jax.ShapeDtypeStruct((O, D), jnp.float32),
)


def kernel(input, W):
    y, a1, a2 = _matmul_top2(input, W)
    acc1, acc2 = _scatter_accumulate()(input, a1, a2)
    new_W = _finalize(W, acc1, acc2)
    return (y, new_W)

# --- scband reference (transcript-rebuilt; emitter-appended) ---
"""Pipeline reference for scband-hebbian-layer-49082886258997 (READ-ONLY COPY).

The authoritative reference and input builder live on the scoring server;
editing this copy changes nothing except your own understanding.
"""

import jax, jax.numpy as jnp
import numpy as np

LEARNING_RATE = 0.001

def krotov_update(x, W):
    precision = 1e-30
    anti_hebbian_learning_strength = 0.4
    lebesgue_norm = 2.0
    rank = 2
    batch_size = x.shape[0]
    out_features = W.shape[0]
    mini_batch = x.T  # [in_features, batch]
    sign = jnp.sign(W)
    Wp = sign * jnp.abs(W) ** (lebesgue_norm - 1)
    tot_input = Wp @ mini_batch  # [out_features, batch]
    y = jnp.argsort(tot_input, axis=0)  # [out_features, batch]
    cols = jnp.arange(batch_size)
    yl = jnp.zeros((out_features, batch_size), dtype=jnp.float32)
    yl = yl.at[y[out_features - 1, :], cols].set(1.0)
    yl = yl.at[y[out_features - rank, :], cols].set(-anti_hebbian_learning_strength)
    xx = jnp.sum(yl * tot_input, axis=1, keepdims=True)  # [out_features, 1], broadcasts like repeat
    ds = yl @ mini_batch.T - xx * W  # [out_features, in_features]
    nc = jnp.maximum(jnp.max(jnp.abs(ds)), precision)
    return W + LEARNING_RATE * (ds / nc)


def setup_inputs(seed: int = 0) -> dict:
    key = jax.random.key(seed)
    k1, k2 = jax.random.split(key)
    x = jax.random.normal(k1, (16384, 128), dtype=jnp.float32)
    W = jax.random.uniform(k2, (1024, 128), dtype=jnp.float32)  # torch.rand init
    return {"input": x, "W": W}


def reference(input, W):
    # forward output computed with pre-update weights (matches torch ordering)
    y = input @ W.T
    # Hebbian/Krotov in-place weight update performed during forward (training=True)
    new_W = krotov_update(input, W)
    return (y, new_W)

if __name__ == "__main__":
    import jax
    _d = setup_inputs()
    print(jax.jit(kernel)(*tuple(_d.values())))

</pallas_src>

<mosaic_0001>
#map = affine_map<(d0, d1) -> (0, 0)>
#map1 = affine_map<(d0, d1) -> (0, 0, 0)>
module attributes {stable_mosaic.version = 14 : i64} {
  func.func @_scatter_body(%arg0: i32, %arg1: i32, %arg2: memref<16384x128xf32, #tpu.memory_space<hbm>>, %arg3: memref<128x128xi32, #tpu.memory_space<hbm>>, %arg4: memref<128x128xi32, #tpu.memory_space<hbm>>, %arg5: memref<2x1024x128xf32, #tpu.memory_space<hbm>>, %arg6: memref<2x1024x128xf32, #tpu.memory_space<hbm>>, %arg7: memref<4x128xi32, #tpu.memory_space<vmem>>, %arg8: memref<4x128xi32, #tpu.memory_space<vmem>>, %arg9: memref<512x128xf32, #tpu.memory_space<vmem>>, %arg10: memref<64x128xf32, #tpu.memory_space<vmem>>, %arg11: memref<1024x128xf32, #tpu.memory_space<vmem_shared>>, %arg12: memref<1024x128xf32, #tpu.memory_space<vmem_shared>>, %arg13: memref<4x!tpu.dma_semaphore, #tpu.memory_space<semaphore_mem>>) attributes {dimension_semantics = [#tpu.dimension_semantics<core_parallel>, #tpu.dimension_semantics<subcore_parallel>], iteration_bounds = array<i64: 2, 16>, scalar_prefetch = 0 : i64, scratch_operands = 7 : i64, tpu.core_type = #tpu.core_type<sc_vector_subcore>, window_params = [{transform_indices = #map}, {transform_indices = #map}, {transform_indices = #map}, {transform_indices = #map1}, {transform_indices = #map1}]} {
    %mul3A = arith.constant 16 : i32
    %mul3A_0 = arith.muli %arg0, %mul3A : i32
    %add3A = arith.addi %mul3A_0, %arg1 : i32
    %mul3A_1 = arith.constant 512 : i32
    %mul3A_2 = arith.muli %add3A, %mul3A_1 : i32
    %add3A_3 = arith.constant 0 : i32
    %add3A_4 = arith.addi %mul3A_2, %add3A_3 : i32
    %dma_start3A = arith.constant 0 : i32
    %dma_start3A_5 = arith.constant 0 : i32
    %dma_start3A_6 = arith.constant 0 : i32
    %dma_start3A_7 = tpu.memref_slice %arg9[%dma_start3A_5, %dma_start3A_6] : memref<512x128xf32, #tpu.memory_space<vmem>> -> memref<128x128xf32, #tpu.memory_space<vmem>>
    %dma_start3A_8 = arith.constant 0 : i32
    %dma_start3A_9 = tpu.memref_slice %arg2[%add3A_4, %dma_start3A_8] : memref<16384x128xf32, #tpu.memory_space<hbm>> -> memref<128x128xf32, #tpu.memory_space<hbm>>
    %dma_start3A_10 = tpu.memref_slice %arg13[%dma_start3A] : memref<4x!tpu.dma_semaphore, #tpu.memory_space<semaphore_mem>> -> memref<1x!tpu.dma_semaphore, #tpu.memory_space<semaphore_mem>>
    %dma_start3A_11 = tpu.memref_squeeze %dma_start3A_10 : memref<1x!tpu.dma_semaphore, #tpu.memory_space<semaphore_mem>> -> memref<!tpu.dma_semaphore, #tpu.memory_space<semaphore_mem>>
    %dma_start3A_12 = arith.constant 0 : i32
    %dma_start3A_13 = arith.constant 0 : i32
    %dma_start3A_14 = tpu.memref_slice %arg9[%dma_start3A_12, %dma_start3A_13] : memref<512x128xf32, #tpu.memory_space<vmem>> -> memref<128x128xf32, #tpu.memory_space<vmem>>
    %dma_start3A_15 = arith.constant 0 : i32
    %dma_start3A_16 = tpu.memref_slice %arg2[%add3A_4, %dma_start3A_15] : memref<16384x128xf32, #tpu.memory_space<hbm>> -> memref<128x128xf32, #tpu.memory_space<hbm>>
    tpu.enqueue_dma source(%dma_start3A_16 : memref<128x128xf32, #tpu.memory_space<hbm>>) target(%dma_start3A_14 : memref<128x128xf32, #tpu.memory_space<vmem>>) target_semaphore(%dma_start3A_11 : memref<!tpu.dma_semaphore, #tpu.memory_space<semaphore_mem>>)
    %add3A_17 = arith.constant 128 : i32
    %add3A_18 = arith.addi %mul3A_2, %add3A_17 : i32
    %dma_start3A_19 = arith.constant 1 : i32
    %dma_start3A_20 = arith.constant 128 : i32
    %dma_start3A_21 = arith.constant 0 : i32
    %dma_start3A_22 = tpu.memref_slice %arg9[%dma_start3A_20, %dma_start3A_21] : memref<512x128xf32, #tpu.memory_space<vmem>> -> memref<128x128xf32, #tpu.memory_space<vmem>>
    %dma_start3A_23 = arith.constant 0 : i32
    %dma_start3A_24 = tpu.memref_slice %arg2[%add3A_18, %dma_start3A_23] : memref<16384x128xf32, #tpu.memory_space<hbm>> -> memref<128x128xf32, #tpu.memory_space<hbm>>
    %dma_start3A_25 = tpu.memref_slice %arg13[%dma_start3A_19] : memref<4x!tpu.dma_semaphore, #tpu.memory_space<semaphore_mem>> -> memref<1x!tpu.dma_semaphore, #tpu.memory_space<semaphore_mem>>
    %dma_start3A_26 = tpu.memref_squeeze %dma_start3A_25 : memref<1x!tpu.dma_semaphore, #tpu.memory_space<semaphore_mem>> -> memref<!tpu.dma_semaphore, #tpu.memory_space<semaphore_mem>>
    %dma_start3A_27 = arith.constant 128 : i32
    %dma_start3A_28 = arith.constant 0 : i32
    %dma_start3A_29 = tpu.memref_slice %arg9[%dma_start3A_27, %dma_start3A_28] : memref<512x128xf32, #tpu.memory_space<vmem>> -> memref<128x128xf32, #tpu.memory_space<vmem>>
    %dma_start3A_30 = arith.constant 0 : i32
    %dma_start3A_31 = tpu.memref_slice %arg2[%add3A_18, %dma_start3A_30] : memref<16384x128xf32, #tpu.memory_space<hbm>> -> memref<128x128xf32, #tpu.memory_space<hbm>>
    tpu.enqueue_dma source(%dma_start3A_31 : memref<128x128xf32, #tpu.memory_space<hbm>>) target(%dma_start3A_29 : memref<128x128xf32, #tpu.memory_space<vmem>>) target_semaphore(%dma_start3A_26 : memref<!tpu.dma_semaphore, #tpu.memory_space<semaphore_mem>>)
    %add3A_32 = arith.constant 256 : i32
    %add3A_33 = arith.addi %mul3A_2, %add3A_32 : i32
    %dma_start3A_34 = arith.constant 2 : i32
    %dma_start3A_35 = arith.constant 256 : i32
    %dma_start3A_36 = arith.constant 0 : i32
    %dma_start3A_37 = tpu.memref_slice %arg9[%dma_start3A_35, %dma_start3A_36] : memref<512x128xf32, #tpu.memory_space<vmem>> -> memref<128x128xf32, #tpu.memory_space<vmem>>
    %dma_start3A_38 = arith.constant 0 : i32
    %dma_start3A_39 = tpu.memref_slice %arg2[%add3A_33, %dma_start3A_38] : memref<16384x128xf32, #tpu.memory_space<hbm>> -> memref<128x128xf32, #tpu.memory_space<hbm>>
    %dma_start3A_40 = tpu.memref_slice %arg13[%dma_start3A_34] : memref<4x!tpu.dma_semaphore, #tpu.memory_space<semaphore_mem>> -> memref<1x!tpu.dma_semaphore, #tpu.memory_space<semaphore_mem>>
    %dma_start3A_41 = tpu.memref_squeeze %dma_start3A_40 : memref<1x!tpu.dma_semaphore, #tpu.memory_space<semaphore_mem>> -> memref<!tpu.dma_semaphore, #tpu.memory_space<semaphore_mem>>
    %dma_start3A_42 = arith.constant 256 : i32
    %dma_start3A_43 = arith.constant 0 : i32
    %dma_start3A_44 = tpu.memref_slice %arg9[%dma_start3A_42, %dma_start3A_43] : memref<512x128xf32, #tpu.memory_space<vmem>> -> memref<128x128xf32, #tpu.memory_space<vmem>>
    %dma_start3A_45 = arith.constant 0 : i32
    %dma_start3A_46 = tpu.memref_slice %arg2[%add3A_33, %dma_start3A_45] : memref<16384x128xf32, #tpu.memory_space<hbm>> -> memref<128x128xf32, #tpu.memory_space<hbm>>
    tpu.enqueue_dma source(%dma_start3A_46 : memref<128x128xf32, #tpu.memory_space<hbm>>) target(%dma_start3A_44 : memref<128x128xf32, #tpu.memory_space<vmem>>) target_semaphore(%dma_start3A_41 : memref<!tpu.dma_semaphore, #tpu.memory_space<semaphore_mem>>)
    %add3A_47 = arith.constant 384 : i32
    %add3A_48 = arith.addi %mul3A_2, %add3A_47 : i32
    %dma_start3A_49 = arith.constant 3 : i32
    %dma_start3A_50 = arith.constant 384 : i32
    %dma_start3A_51 = arith.constant 0 : i32
    %dma_start3A_52 = tpu.memref_slice %arg9[%dma_start3A_50, %dma_start3A_51] : memref<512x128xf32, #tpu.memory_space<vmem>> -> memref<128x128xf32, #tpu.memory_space<vmem>>
    %dma_start3A_53 = arith.constant 0 : i32
    %dma_start3A_54 = tpu.memref_slice %arg2[%add3A_48, %dma_start3A_53] : memref<16384x128xf32, #tpu.memory_space<hbm>> -> memref<128x128xf32, #tpu.memory_space<hbm>>
    %dma_start3A_55 = tpu.memref_slice %arg13[%dma_start3A_49] : memref<4x!tpu.dma_semaphore, #tpu.memory_space<semaphore_mem>> -> memref<1x!tpu.dma_semaphore, #tpu.memory_space<semaphore_mem>>
    %dma_start3A_56 = tpu.memref_squeeze %dma_start3A_55 : memref<1x!tpu.dma_semaphore, #tpu.memory_space<semaphore_mem>> -> memref<!tpu.dma_semaphore, #tpu.memory_space<semaphore_mem>>
    %dma_start3A_57 = arith.constant 384 : i32
    %dma_start3A_58 = arith.constant 0 : i32
    %dma_start3A_59 = tpu.memref_slice %arg9[%dma_start3A_57, %dma_start3A_58] : memref<512x128xf32, #tpu.memory_space<vmem>> -> memref<128x128xf32, #tpu.memory_space<vmem>>
    %dma_start3A_60 = arith.constant 0 : i32
    %dma_start3A_61 = tpu.memref_slice %arg2[%add3A_48, %dma_start3A_60] : memref<16384x128xf32, #tpu.memory_space<hbm>> -> memref<128x128xf32, #tpu.memory_space<hbm>>
    tpu.enqueue_dma source(%dma_start3A_61 : memref<128x128xf32, #tpu.memory_space<hbm>>) target(%dma_start3A_59 : memref<128x128xf32, #tpu.memory_space<vmem>>) target_semaphore(%dma_start3A_56 : memref<!tpu.dma_semaphore, #tpu.memory_space<semaphore_mem>>)
    %mul3A_62 = arith.constant 4 : i32
    %mul3A_63 = arith.muli %add3A, %mul3A_62 : i32
    "tpu.region"() ({
      %run_scoped3A_142 = tpu.sem_alloc : memref<!tpu.dma_semaphore, #tpu.memory_space<semaphore_mem>>
      %dma_start3A_143 = arith.constant 0 : i32
      %dma_start3A_144 = tpu.memref_slice %arg3[%mul3A_63, %dma_start3A_143] : memref<128x128xi32, #tpu.memory_space<hbm>> -> memref<4x128xi32, #tpu.memory_space<hbm>>
      %dma_start3A_145 = arith.constant 0 : i32
      %dma_start3A_146 = tpu.memref_slice %arg3[%mul3A_63, %dma_start3A_145] : memref<128x128xi32, #tpu.memory_space<hbm>> -> memref<4x128xi32, #tpu.memory_space<hbm>>
      tpu.enqueue_dma source(%dma_start3A_146 : memref<4x128xi32, #tpu.memory_space<hbm>>) target(%arg7 : memref<4x128xi32, #tpu.memory_space<vmem>>) target_semaphore(%run_scoped3A_142 : memref<!tpu.dma_semaphore, #tpu.memory_space<semaphore_mem>>)
      %dma_wait3A_147 = arith.constant 0 : i32
      %dma_wait3A_148 = tpu.memref_slice %arg3[%mul3A_63, %dma_wait3A_147] : memref<128x128xi32, #tpu.memory_space<hbm>> -> memref<4x128xi32, #tpu.memory_space<hbm>>
      %dma_wait3A_149 = arith.constant 0 : i32
      %dma_wait3A_150 = tpu.memref_slice %arg3[%mul3A_63, %dma_wait3A_149] : memref<128x128xi32, #tpu.memory_space<hbm>> -> memref<4x128xi32, #tpu.memory_space<hbm>>
      tpu.wait_dma2 semaphore(%run_scoped3A_142 : memref<!tpu.dma_semaphore, #tpu.memory_space<semaphore_mem>>) src(%dma_wait3A_150 : memref<4x128xi32, #tpu.memory_space<hbm>>) dst(%arg7 : memref<4x128xi32, #tpu.memory_space<vmem>>)
      tpu.yield
    }) : () -> ()
    %mul3A_64 = arith.constant 4 : i32
    %mul3A_65 = arith.muli %add3A, %mul3A_64 : i32
    "tpu.region"() ({
      %run_scoped3A_142 = tpu.sem_alloc : memref<!tpu.dma_semaphore, #tpu.memory_space<semaphore_mem>>
      %dma_start3A_143 = arith.constant 0 : i32
      %dma_start3A_144 = tpu.memref_slice %arg4[%mul3A_65, %dma_start3A_143] : memref<128x128xi32, #tpu.memory_space<hbm>> -> memref<4x128xi32, #tpu.memory_space<hbm>>
      %dma_start3A_145 = arith.constant 0 : i32
      %dma_start3A_146 = tpu.memref_slice %arg4[%mul3A_65, %dma_start3A_145] : memref<128x128xi32, #tpu.memory_space<hbm>> -> memref<4x128xi32, #tpu.memory_space<hbm>>
      tpu.enqueue_dma source(%dma_start3A_146 : memref<4x128xi32, #tpu.memory_space<hbm>>) target(%arg8 : memref<4x128xi32, #tpu.memory_space<vmem>>) target_semaphore(%run_scoped3A_142 : memref<!tpu.dma_semaphore, #tpu.memory_space<semaphore_mem>>)
      %dma_wait3A_147 = arith.constant 0 : i32
      %dma_wait3A_148 = tpu.memref_slice %arg4[%mul3A_65, %dma_wait3A_147] : memref<128x128xi32, #tpu.memory_space<hbm>> -> memref<4x128xi32, #tpu.memory_space<hbm>>
      %dma_wait3A_149 = arith.constant 0 : i32
      %dma_wait3A_150 = tpu.memref_slice %arg4[%mul3A_65, %dma_wait3A_149] : memref<128x128xi32, #tpu.memory_space<hbm>> -> memref<4x128xi32, #tpu.memory_space<hbm>>
      tpu.wait_dma2 semaphore(%run_scoped3A_142 : memref<!tpu.dma_semaphore, #tpu.memory_space<semaphore_mem>>) src(%dma_wait3A_150 : memref<4x128xi32, #tpu.memory_space<hbm>>) dst(%arg8 : memref<4x128xi32, #tpu.memory_space<vmem>>)
      tpu.yield
    }) : () -> ()
    %scan3A = arith.constant 0 : i32
    %scan3A_66 = arith.constant 0 : i32
    %scan3A_67 = arith.constant 64 : i32
    %scan3A_68 = arith.addi %scan3A_66, %scan3A_67 : i32
    %scan3A_69 = arith.constant 1 : i32
    scf.for %scan3A_142 = %scan3A_66 to %scan3A_68 step %scan3A_69  : i32 {
      %broadcast_in_dim3A = arith.constant 0.000000e+00 : f32
      %broadcast_in_dim3A_143 = vector.broadcast %broadcast_in_dim3A : f32 to vector<16xf32>
      %swap3A = arith.index_cast %scan3A_142 : i32 to index
      %swap3A_144 = arith.constant 0 : index
      %swap3A_145 = tpu.vector_load %arg10[%swap3A, %swap3A_144] {strides = array<i32>} : memref<64x128xf32, #tpu.memory_space<vmem>>, vector<1x16xf32>,
      %swap3A_146 = vector.shape_cast %swap3A_145 : vector<1x16xf32> to vector<16xf32>
      %swap3A_147 = vector.shape_cast %broadcast_in_dim3A_143 : vector<16xf32> to vector<1x16xf32>
      tpu.vector_store %arg10[%swap3A, %swap3A_144], %swap3A_147 {strides = array<i32>} : memref<64x128xf32, #tpu.memory_space<vmem>>, vector<1x16xf32>,
      %broadcast_in_dim3A_148 = arith.constant 0.000000e+00 : f32
      %broadcast_in_dim3A_149 = vector.broadcast %broadcast_in_dim3A_148 : f32 to vector<16xf32>
      %swap3A_150 = arith.index_cast %scan3A_142 : i32 to index
      %swap3A_151 = arith.constant 16 : index
      %swap3A_152 = tpu.vector_load %arg10[%swap3A_150, %swap3A_151] {strides = array<i32>} : memref<64x128xf32, #tpu.memory_space<vmem>>, vector<1x16xf32>,
      %swap3A_153 = vector.shape_cast %swap3A_152 : vector<1x16xf32> to vector<16xf32>
      %swap3A_154 = vector.shape_cast %broadcast_in_dim3A_149 : vector<16xf32> to vector<1x16xf32>
      tpu.vector_store %arg10[%swap3A_150, %swap3A_151], %swap3A_154 {strides = array<i32>} : memref<64x128xf32, #tpu.memory_space<vmem>>, vector<1x16xf32>,
      %broadcast_in_dim3A_155 = arith.constant 0.000000e+00 : f32
      %broadcast_in_dim3A_156 = vector.broadcast %broadcast_in_dim3A_155 : f32 to vector<16xf32>
      %swap3A_157 = arith.index_cast %scan3A_142 : i32 to index
      %swap3A_158 = arith.constant 32 : index
      %swap3A_159 = tpu.vector_load %arg10[%swap3A_157, %swap3A_158] {strides = array<i32>} : memref<64x128xf32, #tpu.memory_space<vmem>>, vector<1x16xf32>,
      %swap3A_160 = vector.shape_cast %swap3A_159 : vector<1x16xf32> to vector<16xf32>
      %swap3A_161 = vector.shape_cast %broadcast_in_dim3A_156 : vector<16xf32> to vector<1x16xf32>
      tpu.vector_store %arg10[%swap3A_157, %swap3A_158], %swap3A_161 {strides = array<i32>} : memref<64x128xf32, #tpu.memory_space<vmem>>, vector<1x16xf32>,
      %broadcast_in_dim3A_162 = arith.constant 0.000000e+00 : f32
      %broadcast_in_dim3A_163 = vector.broadcast %broadcast_in_dim3A_162 : f32 to vector<16xf32>
      %swap3A_164 = arith.index_cast %scan3A_142 : i32 to index
      %swap3A_165 = arith.constant 48 : index
      %swap3A_166 = tpu.vector_load %arg10[%swap3A_164, %swap3A_165] {strides = array<i32>} : memref<64x128xf32, #tpu.memory_space<vmem>>, vector<1x16xf32>,
      %swap3A_167 = vector.shape_cast %swap3A_166 : vector<1x16xf32> to vector<16xf32>
      %swap3A_168 = vector.shape_cast %broadcast_in_dim3A_163 : vector<16xf32> to vector<1x16xf32>
      tpu.vector_store %arg10[%swap3A_164, %swap3A_165], %swap3A_168 {strides = array<i32>} : memref<64x128xf32, #tpu.memory_space<vmem>>, vector<1x16xf32>,
      %broadcast_in_dim3A_169 = arith.constant 0.000000e+00 : f32
      %broadcast_in_dim3A_170 = vector.broadcast %broadcast_in_dim3A_169 : f32 to vector<16xf32>
      %swap3A_171 = arith.index_cast %scan3A_142 : i32 to index
      %swap3A_172 = arith.constant 64 : index
      %swap3A_173 = tpu.vector_load %arg10[%swap3A_171, %swap3A_172] {strides = array<i32>} : memref<64x128xf32, #tpu.memory_space<vmem>>, vector<1x16xf32>,
      %swap3A_174 = vector.shape_cast %swap3A_173 : vector<1x16xf32> to vector<16xf32>
      %swap3A_175 = vector.shape_cast %broadcast_in_dim3A_170 : vector<16xf32> to vector<1x16xf32>
      tpu.vector_store %arg10[%swap3A_171, %swap3A_172], %swap3A_175 {strides = array<i32>} : memref<64x128xf32, #tpu.memory_space<vmem>>, vector<1x16xf32>,
      %broadcast_in_dim3A_176 = arith.constant 0.000000e+00 : f32
      %broadcast_in_dim3A_177 = vector.broadcast %broadcast_in_dim3A_176 : f32 to vector<16xf32>
      %swap3A_178 = arith.index_cast %scan3A_142 : i32 to index
      %swap3A_179 = arith.constant 80 : index
      %swap3A_180 = tpu.vector_load %arg10[%swap3A_178, %swap3A_179] {strides = array<i32>} : memref<64x128xf32, #tpu.memory_space<vmem>>, vector<1x16xf32>,
      %swap3A_181 = vector.shape_cast %swap3A_180 : vector<1x16xf32> to vector<16xf32>
      %swap3A_182 = vector.shape_cast %broadcast_in_dim3A_177 : vector<16xf32> to vector<1x16xf32>
      tpu.vector_store %arg10[%swap3A_178, %swap3A_179], %swap3A_182 {strides = array<i32>} : memref<64x128xf32, #tpu.memory_space<vmem>>, vector<1x16xf32>,
      %broadcast_in_dim3A_183 = arith.constant 0.000000e+00 : f32
      %broadcast_in_dim3A_184 = vector.broadcast %broadcast_in_dim3A_183 : f32 to vector<16xf32>
      %swap3A_185 = arith.index_cast %scan3A_142 : i32 to index
      %swap3A_186 = arith.constant 96 : index
      %swap3A_187 = tpu.vector_load %arg10[%swap3A_185, %swap3A_186] {strides = array<i32>} : memref<64x128xf32, #tpu.memory_space<vmem>>, vector<1x16xf32>,
      %swap3A_188 = vector.shape_cast %swap3A_187 : vector<1x16xf32> to vector<16xf32>
      %swap3A_189 = vector.shape_cast %broadcast_in_dim3A_184 : vector<16xf32> to vector<1x16xf32>
      tpu.vector_store %arg10[%swap3A_185, %swap3A_186], %swap3A_189 {strides = array<i32>} : memref<64x128xf32, #tpu.memory_space<vmem>>, vector<1x16xf32>,
      %broadcast_in_dim3A_190 = arith.constant 0.000000e+00 : f32
      %broadcast_in_dim3A_191 = vector.broadcast %broadcast_in_dim3A_190 : f32 to vector<16xf32>
      %swap3A_192 = arith.index_cast %scan3A_142 : i32 to index
      %swap3A_193 = arith.constant 112 : index
      %swap3A_194 = tpu.vector_load %arg10[%swap3A_192, %swap3A_193] {strides = array<i32>} : memref<64x128xf32, #tpu.memory_space<vmem>>, vector<1x16xf32>,
      %swap3A_195 = vector.shape_cast %swap3A_194 : vector<1x16xf32> to vector<16xf32>
      %swap3A_196 = vector.shape_cast %broadcast_in_dim3A_191 : vector<16xf32> to vector<1x16xf32>
      tpu.vector_store %arg10[%swap3A_192, %swap3A_193], %swap3A_196 {strides = array<i32>} : memref<64x128xf32, #tpu.memory_space<vmem>>, vector<1x16xf32>,
    }
    %scan3A_70 = arith.constant 64 : i32
    %mul3A_71 = arith.constant 64 : i32
    %mul3A_72 = arith.muli %arg1, %mul3A_71 : i32
    "tpu.region"() ({
      %run_scoped3A_142 = tpu.sem_alloc : memref<!tpu.dma_semaphore, #tpu.memory_space<semaphore_mem>>
      %dma_start3A_143 = arith.constant 0 : i32
      %dma_start3A_144 = tpu.memref_slice %arg11[%mul3A_72, %dma_start3A_143] : memref<1024x128xf32, #tpu.memory_space<vmem_shared>> -> memref<64x128xf32, #tpu.memory_space<vmem_shared>>
      %dma_start3A_145 = arith.constant 0 : i32
      %dma_start3A_146 = tpu.memref_slice %arg11[%mul3A_72, %dma_start3A_145] : memref<1024x128xf32, #tpu.memory_space<vmem_shared>> -> memref<64x128xf32, #tpu.memory_space<vmem_shared>>
      tpu.enqueue_dma source(%arg10 : memref<64x128xf32, #tpu.memory_space<vmem>>) target(%dma_start3A_146 : memref<64x128xf32, #tpu.memory_space<vmem_shared>>) target_semaphore(%run_scoped3A_142 : memref<!tpu.dma_semaphore, #tpu.memory_space<semaphore_mem>>)
      %dma_wait3A_147 = arith.constant 0 : i32
      %dma_wait3A_148 = tpu.memref_slice %arg11[%mul3A_72, %dma_wait3A_147] : memref<1024x128xf32, #tpu.memory_space<vmem_shared>> -> memref<64x128xf32, #tpu.memory_space<vmem_shared>>
      %dma_wait3A_149 = arith.constant 0 : i32
      %dma_wait3A_150 = tpu.memref_slice %arg11[%mul3A_72, %dma_wait3A_149] : memref<1024x128xf32, #tpu.memory_space<vmem_shared>> -> memref<64x128xf32, #tpu.memory_space<vmem_shared>>
      tpu.wait_dma2 semaphore(%run_scoped3A_142 : memref<!tpu.dma_semaphore, #tpu.memory_space<semaphore_mem>>) src(%arg10 : memref<64x128xf32, #tpu.memory_space<vmem>>) dst(%dma_wait3A_150 : memref<64x128xf32, #tpu.memory_space<vmem_shared>>)
      tpu.yield
    }) : () -> ()
    %mul3A_73 = arith.constant 64 : i32
    %mul3A_74 = arith.muli %arg1, %mul3A_73 : i32
    "tpu.region"() ({
      %run_scoped3A_142 = tpu.sem_alloc : memref<!tpu.dma_semaphore, #tpu.memory_space<semaphore_mem>>
      %dma_start3A_143 = arith.constant 0 : i32
      %dma_start3A_144 = tpu.memref_slice %arg12[%mul3A_74, %dma_start3A_143] : memref<1024x128xf32, #tpu.memory_space<vmem_shared>> -> memref<64x128xf32, #tpu.memory_space<vmem_shared>>
      %dma_start3A_145 = arith.constant 0 : i32
      %dma_start3A_146 = tpu.memref_slice %arg12[%mul3A_74, %dma_start3A_145] : memref<1024x128xf32, #tpu.memory_space<vmem_shared>> -> memref<64x128xf32, #tpu.memory_space<vmem_shared>>
      tpu.enqueue_dma source(%arg10 : memref<64x128xf32, #tpu.memory_space<vmem>>) target(%dma_start3A_146 : memref<64x128xf32, #tpu.memory_space<vmem_shared>>) target_semaphore(%run_scoped3A_142 : memref<!tpu.dma_semaphore, #tpu.memory_space<semaphore_mem>>)
      %dma_wait3A_147 = arith.constant 0 : i32
      %dma_wait3A_148 = tpu.memref_slice %arg12[%mul3A_74, %dma_wait3A_147] : memref<1024x128xf32, #tpu.memory_space<vmem_shared>> -> memref<64x128xf32, #tpu.memory_space<vmem_shared>>
      %dma_wait3A_149 = arith.constant 0 : i32
      %dma_wait3A_150 = tpu.memref_slice %arg12[%mul3A_74, %dma_wait3A_149] : memref<1024x128xf32, #tpu.memory_space<vmem_shared>> -> memref<64x128xf32, #tpu.memory_space<vmem_shared>>
      tpu.wait_dma2 semaphore(%run_scoped3A_142 : memref<!tpu.dma_semaphore, #tpu.memory_space<semaphore_mem>>) src(%arg10 : memref<64x128xf32, #tpu.memory_space<vmem>>) dst(%dma_wait3A_150 : memref<64x128xf32, #tpu.memory_space<vmem_shared>>)
      tpu.yield
    }) : () -> ()
    %barrier3A = arith.constant 0 : index
    tpu.barrier barrier_id(%barrier3A)
    %dma_wait3A = arith.constant 0 : i32
    %dma_wait3A_75 = arith.constant 0 : i32
    %dma_wait3A_76 = arith.constant 0 : i32
    %dma_wait3A_77 = tpu.memref_slice %arg9[%dma_wait3A_75, %dma_wait3A_76] : memref<512x128xf32, #tpu.memory_space<vmem>> -> memref<128x128xf32, #tpu.memory_space<vmem>>
    %dma_wait3A_78 = arith.constant 0 : i32
    %dma_wait3A_79 = tpu.memref_slice %arg2[%add3A_4, %dma_wait3A_78] : memref<16384x128xf32, #tpu.memory_space<hbm>> -> memref<128x128xf32, #tpu.memory_space<hbm>>
    %dma_wait3A_80 = tpu.memref_slice %arg13[%dma_wait3A] : memref<4x!tpu.dma_semaphore, #tpu.memory_space<semaphore_mem>> -> memref<1x!tpu.dma_semaphore, #tpu.memory_space<semaphore_mem>>
    %dma_wait3A_81 = tpu.memref_squeeze %dma_wait3A_80 : memref<1x!tpu.dma_semaphore, #tpu.memory_space<semaphore_mem>> -> memref<!tpu.dma_semaphore, #tpu.memory_space<semaphore_mem>>
    %dma_wait3A_82 = arith.constant 0 : i32
    %dma_wait3A_83 = arith.constant 0 : i32
    %dma_wait3A_84 = tpu.memref_slice %arg9[%dma_wait3A_82, %dma_wait3A_83] : memref<512x128xf32, #tpu.memory_space<vmem>> -> memref<128x128xf32, #tpu.memory_space<vmem>>
    %dma_wait3A_85 = arith.constant 0 : i32
    %dma_wait3A_86 = tpu.memref_slice %arg2[%add3A_4, %dma_wait3A_85] : memref<16384x128xf32, #tpu.memory_space<hbm>> -> memref<128x128xf32, #tpu.memory_space<hbm>>
    tpu.wait_dma2 semaphore(%dma_wait3A_81 : memref<!tpu.dma_semaphore, #tpu.memory_space<semaphore_mem>>) src(%dma_wait3A_86 : memref<128x128xf32, #tpu.memory_space<hbm>>) dst(%dma_wait3A_84 : memref<128x128xf32, #tpu.memory_space<vmem>>)
    %run_scoped3A = arith.constant 0 : i32
    "tpu.region"() ({
      %run_scoped3A_142 = tpu.sem_alloc : memref<!tpu.dma_semaphore, #tpu.memory_space<semaphore_mem>>
      %dma_start3A_143 = arith.constant 0 : i32
      %dma_start3A_144 = arith.constant 0 : i32
      %dma_start3A_145 = tpu.memref_slice %arg9[%dma_start3A_143, %dma_start3A_144] : memref<512x128xf32, #tpu.memory_space<vmem>> -> memref<128x128xf32, #tpu.memory_space<vmem>>
      %dma_start3A_146 = arith.constant 0 : i32
      %dma_start3A_147 = tpu.memref_slice %arg7[%run_scoped3A, %dma_start3A_146] : memref<4x128xi32, #tpu.memory_space<vmem>> -> memref<1x128xi32, #tpu.memory_space<vmem>>
      %dma_start3A_148 = tpu.memref_squeeze %dma_start3A_147 : memref<1x128xi32, #tpu.memory_space<vmem>> -> memref<128xi32, #tpu.memory_space<vmem>>
      %dma_start3A_149 = arith.constant 0 : i32
      %dma_start3A_150 = arith.constant 0 : i32
      %dma_start3A_151 = tpu.memref_slice %arg11[%dma_start3A_149, %dma_start3A_150] : memref<1024x128xf32, #tpu.memory_space<vmem_shared>> -> memref<1024x128xf32, #tpu.memory_space<vmem_shared>>
      tpu.enqueue_indirect_dma source(%dma_start3A_145 : memref<128x128xf32, #tpu.memory_space<vmem>>) target(%dma_start3A_151 : memref<1024x128xf32, #tpu.memory_space<vmem_shared>>) offsets(%dma_start3A_148 : memref<128xi32, #tpu.memory_space<vmem>>) semaphore(%run_scoped3A_142 : memref<!tpu.dma_semaphore, #tpu.memory_space<semaphore_mem>>) {add = true}
      %dma_wait3A_152 = arith.constant 0 : i32
      %dma_wait3A_153 = arith.constant 0 : i32
      %dma_wait3A_154 = tpu.memref_slice %arg9[%dma_wait3A_152, %dma_wait3A_153] : memref<512x128xf32, #tpu.memory_space<vmem>> -> memref<128x128xf32, #tpu.memory_space<vmem>>
      %dma_wait3A_155 = arith.constant 0 : i32
      %dma_wait3A_156 = tpu.memref_slice %arg7[%run_scoped3A, %dma_wait3A_155] : memref<4x128xi32, #tpu.memory_space<vmem>> -> memref<1x128xi32, #tpu.memory_space<vmem>>
      %dma_wait3A_157 = tpu.memref_squeeze %dma_wait3A_156 : memref<1x128xi32, #tpu.memory_space<vmem>> -> memref<128xi32, #tpu.memory_space<vmem>>
      %dma_wait3A_158 = arith.constant 0 : i32
      %dma_wait3A_159 = arith.constant 0 : i32
      %dma_wait3A_160 = tpu.memref_slice %arg11[%dma_wait3A_158, %dma_wait3A_159] : memref<1024x128xf32, #tpu.memory_space<vmem_shared>> -> memref<1024x128xf32, #tpu.memory_space<vmem_shared>>
      tpu.wait_indirect_dma semaphore(%run_scoped3A_142 : memref<!tpu.dma_semaphore, #tpu.memory_space<semaphore_mem>>) src(%dma_wait3A_154 : memref<128x128xf32, #tpu.memory_space<vmem>>) dst(%dma_wait3A_160 : memref<1024x128xf32, #tpu.memory_space<vmem_shared>>)
      tpu.yield
    }) : () -> ()
    %run_scoped3A_87 = arith.constant 0 : i32
    "tpu.region"() ({
      %run_scoped3A_142 = tpu.sem_alloc : memref<!tpu.dma_semaphore, #tpu.memory_space<semaphore_mem>>
      %dma_start3A_143 = arith.constant 0 : i32
      %dma_start3A_144 = arith.constant 0 : i32
      %dma_start3A_145 = tpu.memref_slice %arg9[%dma_start3A_143, %dma_start3A_144] : memref<512x128xf32, #tpu.memory_space<vmem>> -> memref<128x128xf32, #tpu.memory_space<vmem>>
      %dma_start3A_146 = arith.constant 0 : i32
      %dma_start3A_147 = tpu.memref_slice %arg8[%run_scoped3A_87, %dma_start3A_146] : memref<4x128xi32, #tpu.memory_space<vmem>> -> memref<1x128xi32, #tpu.memory_space<vmem>>
      %dma_start3A_148 = tpu.memref_squeeze %dma_start3A_147 : memref<1x128xi32, #tpu.memory_space<vmem>> -> memref<128xi32, #tpu.memory_space<vmem>>
      %dma_start3A_149 = arith.constant 0 : i32
      %dma_start3A_150 = arith.constant 0 : i32
      %dma_start3A_151 = tpu.memref_slice %arg12[%dma_start3A_149, %dma_start3A_150] : memref<1024x128xf32, #tpu.memory_space<vmem_shared>> -> memref<1024x128xf32, #tpu.memory_space<vmem_shared>>
      tpu.enqueue_indirect_dma source(%dma_start3A_145 : memref<128x128xf32, #tpu.memory_space<vmem>>) target(%dma_start3A_151 : memref<1024x128xf32, #tpu.memory_space<vmem_shared>>) offsets(%dma_start3A_148 : memref<128xi32, #tpu.memory_space<vmem>>) semaphore(%run_scoped3A_142 : memref<!tpu.dma_semaphore, #tpu.memory_space<semaphore_mem>>) {add = true}
      %dma_wait3A_152 = arith.constant 0 : i32
      %dma_wait3A_153 = arith.constant 0 : i32
      %dma_wait3A_154 = tpu.memref_slice %arg9[%dma_wait3A_152, %dma_wait3A_153] : memref<512x128xf32, #tpu.memory_space<vmem>> -> memref<128x128xf32, #tpu.memory_space<vmem>>
      %dma_wait3A_155 = arith.constant 0 : i32
      %dma_wait3A_156 = tpu.memref_slice %arg8[%run_scoped3A_87, %dma_wait3A_155] : memref<4x128xi32, #tpu.memory_space<vmem>> -> memref<1x128xi32, #tpu.memory_space<vmem>>
      %dma_wait3A_157 = tpu.memref_squeeze %dma_wait3A_156 : memref<1x128xi32, #tpu.memory_space<vmem>> -> memref<128xi32, #tpu.memory_space<vmem>>
      %dma_wait3A_158 = arith.constant 0 : i32
      %dma_wait3A_159 = arith.constant 0 : i32
      %dma_wait3A_160 = tpu.memref_slice %arg12[%dma_wait3A_158, %dma_wait3A_159] : memref<1024x128xf32, #tpu.memory_space<vmem_shared>> -> memref<1024x128xf32, #tpu.memory_space<vmem_shared>>
      tpu.wait_indirect_dma semaphore(%run_scoped3A_142 : memref<!tpu.dma_semaphore, #tpu.memory_space<semaphore_mem>>) src(%dma_wait3A_154 : memref<128x128xf32, #tpu.memory_space<vmem>>) dst(%dma_wait3A_160 : memref<1024x128xf32, #tpu.memory_space<vmem_shared>>)
      tpu.yield
    }) : () -> ()
    %dma_wait3A_88 = arith.constant 1 : i32
    %dma_wait3A_89 = arith.constant 128 : i32
    %dma_wait3A_90 = arith.constant 0 : i32
    %dma_wait3A_91 = tpu.memref_slice %arg9[%dma_wait3A_89, %dma_wait3A_90] : memref<512x128xf32, #tpu.memory_space<vmem>> -> memref<128x128xf32, #tpu.memory_space<vmem>>
    %dma_wait3A_92 = arith.constant 0 : i32
    %dma_wait3A_93 = tpu.memref_slice %arg2[%add3A_18, %dma_wait3A_92] : memref<16384x128xf32, #tpu.memory_space<hbm>> -> memref<128x128xf32, #tpu.memory_space<hbm>>
    %dma_wait3A_94 = tpu.memref_slice %arg13[%dma_wait3A_88] : memref<4x!tpu.dma_semaphore, #tpu.memory_space<semaphore_mem>> -> memref<1x!tpu.dma_semaphore, #tpu.memory_space<semaphore_mem>>
    %dma_wait3A_95 = tpu.memref_squeeze %dma_wait3A_94 : memref<1x!tpu.dma_semaphore, #tpu.memory_space<semaphore_mem>> -> memref<!tpu.dma_semaphore, #tpu.memory_space<semaphore_mem>>
    %dma_wait3A_96 = arith.constant 128 : i32
    %dma_wait3A_97 = arith.constant 0 : i32
    %dma_wait3A_98 = tpu.memref_slice %arg9[%dma_wait3A_96, %dma_wait3A_97] : memref<512x128xf32, #tpu.memory_space<vmem>> -> memref<128x128xf32, #tpu.memory_space<vmem>>
    %dma_wait3A_99 = arith.constant 0 : i32
    %dma_wait3A_100 = tpu.memref_slice %arg2[%add3A_18, %dma_wait3A_99] : memref<16384x128xf32, #tpu.memory_space<hbm>> -> memref<128x128xf32, #tpu.memory_space<hbm>>
    tpu.wait_dma2 semaphore(%dma_wait3A_95 : memref<!tpu.dma_semaphore, #tpu.memory_space<semaphore_mem>>) src(%dma_wait3A_100 : memref<128x128xf32, #tpu.memory_space<hbm>>) dst(%dma_wait3A_98 : memref<128x128xf32, #tpu.memory_space<vmem>>)
    %run_scoped3A_101 = arith.constant 1 : i32
    "tpu.region"() ({
      %run_scoped3A_142 = tpu.sem_alloc : memref<!tpu.dma_semaphore, #tpu.memory_space<semaphore_mem>>
      %dma_start3A_143 = arith.constant 128 : i32
      %dma_start3A_144 = arith.constant 0 : i32
      %dma_start3A_145 = tpu.memref_slice %arg9[%dma_start3A_143, %dma_start3A_144] : memref<512x128xf32, #tpu.memory_space<vmem>> -> memref<128x128xf32, #tpu.memory_space<vmem>>
      %dma_start3A_146 = arith.constant 0 : i32
      %dma_start3A_147 = tpu.memref_slice %arg7[%run_scoped3A_101, %dma_start3A_146] : memref<4x128xi32, #tpu.memory_space<vmem>> -> memref<1x128xi32, #tpu.memory_space<vmem>>
      %dma_start3A_148 = tpu.memref_squeeze %dma_start3A_147 : memref<1x128xi32, #tpu.memory_space<vmem>> -> memref<128xi32, #tpu.memory_space<vmem>>
      %dma_start3A_149 = arith.constant 0 : i32
      %dma_start3A_150 = arith.constant 0 : i32
      %dma_start3A_151 = tpu.memref_slice %arg11[%dma_start3A_149, %dma_start3A_150] : memref<1024x128xf32, #tpu.memory_space<vmem_shared>> -> memref<1024x128xf32, #tpu.memory_space<vmem_shared>>
      tpu.enqueue_indirect_dma source(%dma_start3A_145 : memref<128x128xf32, #tpu.memory_space<vmem>>) target(%dma_start3A_151 : memref<1024x128xf32, #tpu.memory_space<vmem_shared>>) offsets(%dma_start3A_148 : memref<128xi32, #tpu.memory_space<vmem>>) semaphore(%run_scoped3A_142 : memref<!tpu.dma_semaphore, #tpu.memory_space<semaphore_mem>>) {add = true}
      %dma_wait3A_152 = arith.constant 128 : i32
      %dma_wait3A_153 = arith.constant 0 : i32
      %dma_wait3A_154 = tpu.memref_slice %arg9[%dma_wait3A_152, %dma_wait3A_153] : memref<512x128xf32, #tpu.memory_space<vmem>> -> memref<128x128xf32, #tpu.memory_space<vmem>>
      %dma_wait3A_155 = arith.constant 0 : i32
      %dma_wait3A_156 = tpu.memref_slice %arg7[%run_scoped3A_101, %dma_wait3A_155] : memref<4x128xi32, #tpu.memory_space<vmem>> -> memref<1x128xi32, #tpu.memory_space<vmem>>
      %dma_wait3A_157 = tpu.memref_squeeze %dma_wait3A_156 : memref<1x128xi32, #tpu.memory_space<vmem>> -> memref<128xi32, #tpu.memory_space<vmem>>
      %dma_wait3A_158 = arith.constant 0 : i32
      %dma_wait3A_159 = arith.constant 0 : i32
      %dma_wait3A_160 = tpu.memref_slice %arg11[%dma_wait3A_158, %dma_wait3A_159] : memref<1024x128xf32, #tpu.memory_space<vmem_shared>> -> memref<1024x128xf32, #tpu.memory_space<vmem_shared>>
      tpu.wait_indirect_dma semaphore(%run_scoped3A_142 : memref<!tpu.dma_semaphore, #tpu.memory_space<semaphore_mem>>) src(%dma_wait3A_154 : memref<128x128xf32, #tpu.memory_space<vmem>>) dst(%dma_wait3A_160 : memref<1024x128xf32, #tpu.memory_space<vmem_shared>>)
      tpu.yield
    }) : () -> ()
    %run_scoped3A_102 = arith.constant 1 : i32
    "tpu.region"() ({
      %run_scoped3A_142 = tpu.sem_alloc : memref<!tpu.dma_semaphore, #tpu.memory_space<semaphore_mem>>
      %dma_start3A_143 = arith.constant 128 : i32
      %dma_start3A_144 = arith.constant 0 : i32
      %dma_start3A_145 = tpu.memref_slice %arg9[%dma_start3A_143, %dma_start3A_144] : memref<512x128xf32, #tpu.memory_space<vmem>> -> memref<128x128xf32, #tpu.memory_space<vmem>>
      %dma_start3A_146 = arith.constant 0 : i32
      %dma_start3A_147 = tpu.memref_slice %arg8[%run_scoped3A_102, %dma_start3A_146] : memref<4x128xi32, #tpu.memory_space<vmem>> -> memref<1x128xi32, #tpu.memory_space<vmem>>
      %dma_start3A_148 = tpu.memref_squeeze %dma_start3A_147 : memref<1x128xi32, #tpu.memory_space<vmem>> -> memref<128xi32, #tpu.memory_space<vmem>>
      %dma_start3A_149 = arith.constant 0 : i32
      %dma_start3A_150 = arith.constant 0 : i32
      %dma_start3A_151 = tpu.memref_slice %arg12[%dma_start3A_149, %dma_start3A_150] : memref<1024x128xf32, #tpu.memory_space<vmem_shared>> -> memref<1024x128xf32, #tpu.memory_space<vmem_shared>>
      tpu.enqueue_indirect_dma source(%dma_start3A_145 : memref<128x128xf32, #tpu.memory_space<vmem>>) target(%dma_start3A_151 : memref<1024x128xf32, #tpu.memory_space<vmem_shared>>) offsets(%dma_start3A_148 : memref<128xi32, #tpu.memory_space<vmem>>) semaphore(%run_scoped3A_142 : memref<!tpu.dma_semaphore, #tpu.memory_space<semaphore_mem>>) {add = true}
      %dma_wait3A_152 = arith.constant 128 : i32
      %dma_wait3A_153 = arith.constant 0 : i32
      %dma_wait3A_154 = tpu.memref_slice %arg9[%dma_wait3A_152, %dma_wait3A_153] : memref<512x128xf32, #tpu.memory_space<vmem>> -> memref<128x128xf32, #tpu.memory_space<vmem>>
      %dma_wait3A_155 = arith.constant 0 : i32
      %dma_wait3A_156 = tpu.memref_slice %arg8[%run_scoped3A_102, %dma_wait3A_155] : memref<4x128xi32, #tpu.memory_space<vmem>> -> memref<1x128xi32, #tpu.memory_space<vmem>>
      %dma_wait3A_157 = tpu.memref_squeeze %dma_wait3A_156 : memref<1x128xi32, #tpu.memory_space<vmem>> -> memref<128xi32, #tpu.memory_space<vmem>>
      %dma_wait3A_158 = arith.constant 0 : i32
      %dma_wait3A_159 = arith.constant 0 : i32
      %dma_wait3A_160 = tpu.memref_slice %arg12[%dma_wait3A_158, %dma_wait3A_159] : memref<1024x128xf32, #tpu.memory_space<vmem_shared>> -> memref<1024x128xf32, #tpu.memory_space<vmem_shared>>
      tpu.wait_indirect_dma semaphore(%run_scoped3A_142 : memref<!tpu.dma_semaphore, #tpu.memory_space<semaphore_mem>>) src(%dma_wait3A_154 : memref<128x128xf32, #tpu.memory_space<vmem>>) dst(%dma_wait3A_160 : memref<1024x128xf32, #tpu.memory_space<vmem_shared>>)
      tpu.yield
    }) : () -> ()
    %dma_wait3A_103 = arith.constant 2 : i32
    %dma_wait3A_104 = arith.constant 256 : i32
    %dma_wait3A_105 = arith.constant 0 : i32
    %dma_wait3A_106 = tpu.memref_slice %arg9[%dma_wait3A_104, %dma_wait3A_105] : memref<512x128xf32, #tpu.memory_space<vmem>> -> memref<128x128xf32, #tpu.memory_space<vmem>>
    %dma_wait3A_107 = arith.constant 0 : i32
    %dma_wait3A_108 = tpu.memref_slice %arg2[%add3A_33, %dma_wait3A_107] : memref<16384x128xf32, #tpu.memory_space<hbm>> -> memref<128x128xf32, #tpu.memory_space<hbm>>
    %dma_wait3A_109 = tpu.memref_slice %arg13[%dma_wait3A_103] : memref<4x!tpu.dma_semaphore, #tpu.memory_space<semaphore_mem>> -> memref<1x!tpu.dma_semaphore, #tpu.memory_space<semaphore_mem>>
    %dma_wait3A_110 = tpu.memref_squeeze %dma_wait3A_109 : memref<1x!tpu.dma_semaphore, #tpu.memory_space<semaphore_mem>> -> memref<!tpu.dma_semaphore, #tpu.memory_space<semaphore_mem>>
    %dma_wait3A_111 = arith.constant 256 : i32
    %dma_wait3A_112 = arith.constant 0 : i32
    %dma_wait3A_113 = tpu.memref_slice %arg9[%dma_wait3A_111, %dma_wait3A_112] : memref<512x128xf32, #tpu.memory_space<vmem>> -> memref<128x128xf32, #tpu.memory_space<vmem>>
    %dma_wait3A_114 = arith.constant 0 : i32
    %dma_wait3A_115 = tpu.memref_slice %arg2[%add3A_33, %dma_wait3A_114] : memref<16384x128xf32, #tpu.memory_space<hbm>> -> memref<128x128xf32, #tpu.memory_space<hbm>>
    tpu.wait_dma2 semaphore(%dma_wait3A_110 : memref<!tpu.dma_semaphore, #tpu.memory_space<semaphore_mem>>) src(%dma_wait3A_115 : memref<128x128xf32, #tpu.memory_space<hbm>>) dst(%dma_wait3A_113 : memref<128x128xf32, #tpu.memory_space<vmem>>)
    %run_scoped3A_116 = arith.constant 2 : i32
    "tpu.region"() ({
      %run_scoped3A_142 = tpu.sem_alloc : memref<!tpu.dma_semaphore, #tpu.memory_space<semaphore_mem>>
      %dma_start3A_143 = arith.constant 256 : i32
      %dma_start3A_144 = arith.constant 0 : i32
      %dma_start3A_145 = tpu.memref_slice %arg9[%dma_start3A_143, %dma_start3A_144] : memref<512x128xf32, #tpu.memory_space<vmem>> -> memref<128x128xf32, #tpu.memory_space<vmem>>
      %dma_start3A_146 = arith.constant 0 : i32
      %dma_start3A_147 = tpu.memref_slice %arg7[%run_scoped3A_116, %dma_start3A_146] : memref<4x128xi32, #tpu.memory_space<vmem>> -> memref<1x128xi32, #tpu.memory_space<vmem>>
      %dma_start3A_148 = tpu.memref_squeeze %dma_start3A_147 : memref<1x128xi32, #tpu.memory_space<vmem>> -> memref<128xi32, #tpu.memory_space<vmem>>
      %dma_start3A_149 = arith.constant 0 : i32
      %dma_start3A_150 = arith.constant 0 : i32
      %dma_start3A_151 = tpu.memref_slice %arg11[%dma_start3A_149, %dma_start3A_150] : memref<1024x128xf32, #tpu.memory_space<vmem_shared>> -> memref<1024x128xf32, #tpu.memory_space<vmem_shared>>
      tpu.enqueue_indirect_dma source(%dma_start3A_145 : memref<128x128xf32, #tpu.memory_space<vmem>>) target(%dma_start3A_151 : memref<1024x128xf32, #tpu.memory_space<vmem_shared>>) offsets(%dma_start3A_148 : memref<128xi32, #tpu.memory_space<vmem>>) semaphore(%run_scoped3A_142 : memref<!tpu.dma_semaphore, #tpu.memory_space<semaphore_mem>>) {add = true}
      %dma_wait3A_152 = arith.constant 256 : i32
      %dma_wait3A_153 = arith.constant 0 : i32
      %dma_wait3A_154 = tpu.memref_slice %arg9[%dma_wait3A_152, %dma_wait3A_153] : memref<512x128xf32, #tpu.memory_space<vmem>> -> memref<128x128xf32, #tpu.memory_space<vmem>>
      %dma_wait3A_155 = arith.constant 0 : i32
      %dma_wait3A_156 = tpu.memref_slice %arg7[%run_scoped3A_116, %dma_wait3A_155] : memref<4x128xi32, #tpu.memory_space<vmem>> -> memref<1x128xi32, #tpu.memory_space<vmem>>
      %dma_wait3A_157 = tpu.memref_squeeze %dma_wait3A_156 : memref<1x128xi32, #tpu.memory_space<vmem>> -> memref<128xi32, #tpu.memory_space<vmem>>
      %dma_wait3A_158 = arith.constant 0 : i32
      %dma_wait3A_159 = arith.constant 0 : i32
      %dma_wait3A_160 = tpu.memref_slice %arg11[%dma_wait3A_158, %dma_wait3A_159] : memref<1024x128xf32, #tpu.memory_space<vmem_shared>> -> memref<1024x128xf32, #tpu.memory_space<vmem_shared>>
      tpu.wait_indirect_dma semaphore(%run_scoped3A_142 : memref<!tpu.dma_semaphore, #tpu.memory_space<semaphore_mem>>) src(%dma_wait3A_154 : memref<128x128xf32, #tpu.memory_space<vmem>>) dst(%dma_wait3A_160 : memref<1024x128xf32, #tpu.memory_space<vmem_shared>>)
      tpu.yield
    }) : () -> ()
    %run_scoped3A_117 = arith.constant 2 : i32
    "tpu.region"() ({
      %run_scoped3A_142 = tpu.sem_alloc : memref<!tpu.dma_semaphore, #tpu.memory_space<semaphore_mem>>
      %dma_start3A_143 = arith.constant 256 : i32
      %dma_start3A_144 = arith.constant 0 : i32
      %dma_start3A_145 = tpu.memref_slice %arg9[%dma_start3A_143, %dma_start3A_144] : memref<512x128xf32, #tpu.memory_space<vmem>> -> memref<128x128xf32, #tpu.memory_space<vmem>>
      %dma_start3A_146 = arith.constant 0 : i32
      %dma_start3A_147 = tpu.memref_slice %arg8[%run_scoped3A_117, %dma_start3A_146] : memref<4x128xi32, #tpu.memory_space<vmem>> -> memref<1x128xi32, #tpu.memory_space<vmem>>
      %dma_start3A_148 = tpu.memref_squeeze %dma_start3A_147 : memref<1x128xi32, #tpu.memory_space<vmem>> -> memref<128xi32, #tpu.memory_space<vmem>>
      %dma_start3A_149 = arith.constant 0 : i32
      %dma_start3A_150 = arith.constant 0 : i32
      %dma_start3A_151 = tpu.memref_slice %arg12[%dma_start3A_149, %dma_start3A_150] : memref<1024x128xf32, #tpu.memory_space<vmem_shared>> -> memref<1024x128xf32, #tpu.memory_space<vmem_shared>>
      tpu.enqueue_indirect_dma source(%dma_start3A_145 : memref<128x128xf32, #tpu.memory_space<vmem>>) target(%dma_start3A_151 : memref<1024x128xf32, #tpu.memory_space<vmem_shared>>) offsets(%dma_start3A_148 : memref<128xi32, #tpu.memory_space<vmem>>) semaphore(%run_scoped3A_142 : memref<!tpu.dma_semaphore, #tpu.memory_space<semaphore_mem>>) {add = true}
      %dma_wait3A_152 = arith.constant 256 : i32
      %dma_wait3A_153 = arith.constant 0 : i32
      %dma_wait3A_154 = tpu.memref_slice %arg9[%dma_wait3A_152, %dma_wait3A_153] : memref<512x128xf32, #tpu.memory_space<vmem>> -> memref<128x128xf32, #tpu.memory_space<vmem>>
      %dma_wait3A_155 = arith.constant 0 : i32
      %dma_wait3A_156 = tpu.memref_slice %arg8[%run_scoped3A_117, %dma_wait3A_155] : memref<4x128xi32, #tpu.memory_space<vmem>> -> memref<1x128xi32, #tpu.memory_space<vmem>>
      %dma_wait3A_157 = tpu.memref_squeeze %dma_wait3A_156 : memref<1x128xi32, #tpu.memory_space<vmem>> -> memref<128xi32, #tpu.memory_space<vmem>>
      %dma_wait3A_158 = arith.constant 0 : i32
      %dma_wait3A_159 = arith.constant 0 : i32
      %dma_wait3A_160 = tpu.memref_slice %arg12[%dma_wait3A_158, %dma_wait3A_159] : memref<1024x128xf32, #tpu.memory_space<vmem_shared>> -> memref<1024x128xf32, #tpu.memory_space<vmem_shared>>
      tpu.wait_indirect_dma semaphore(%run_scoped3A_142 : memref<!tpu.dma_semaphore, #tpu.memory_space<semaphore_mem>>) src(%dma_wait3A_154 : memref<128x128xf32, #tpu.memory_space<vmem>>) dst(%dma_wait3A_160 : memref<1024x128xf32, #tpu.memory_space<vmem_shared>>)
      tpu.yield
    }) : () -> ()
    %dma_wait3A_118 = arith.constant 3 : i32
    %dma_wait3A_119 = arith.constant 384 : i32
    %dma_wait3A_120 = arith.constant 0 : i32
    %dma_wait3A_121 = tpu.memref_slice %arg9[%dma_wait3A_119, %dma_wait3A_120] : memref<512x128xf32, #tpu.memory_space<vmem>> -> memref<128x128xf32, #tpu.memory_space<vmem>>
    %dma_wait3A_122 = arith.constant 0 : i32
    %dma_wait3A_123 = tpu.memref_slice %arg2[%add3A_48, %dma_wait3A_122] : memref<16384x128xf32, #tpu.memory_space<hbm>> -> memref<128x128xf32, #tpu.memory_space<hbm>>
    %dma_wait3A_124 = tpu.memref_slice %arg13[%dma_wait3A_118] : memref<4x!tpu.dma_semaphore, #tpu.memory_space<semaphore_mem>> -> memref<1x!tpu.dma_semaphore, #tpu.memory_space<semaphore_mem>>
    %dma_wait3A_125 = tpu.memref_squeeze %dma_wait3A_124 : memref<1x!tpu.dma_semaphore, #tpu.memory_space<semaphore_mem>> -> memref<!tpu.dma_semaphore, #tpu.memory_space<semaphore_mem>>
    %dma_wait3A_126 = arith.constant 384 : i32
    %dma_wait3A_127 = arith.constant 0 : i32
    %dma_wait3A_128 = tpu.memref_slice %arg9[%dma_wait3A_126, %dma_wait3A_127] : memref<512x128xf32, #tpu.memory_space<vmem>> -> memref<128x128xf32, #tpu.memory_space<vmem>>
    %dma_wait3A_129 = arith.constant 0 : i32
    %dma_wait3A_130 = tpu.memref_slice %arg2[%add3A_48, %dma_wait3A_129] : memref<16384x128xf32, #tpu.memory_space<hbm>> -> memref<128x128xf32, #tpu.memory_space<hbm>>
    tpu.wait_dma2 semaphore(%dma_wait3A_125 : memref<!tpu.dma_semaphore, #tpu.memory_space<semaphore_mem>>) src(%dma_wait3A_130 : memref<128x128xf32, #tpu.memory_space<hbm>>) dst(%dma_wait3A_128 : memref<128x128xf32, #tpu.memory_space<vmem>>)
    %run_scoped3A_131 = arith.constant 3 : i32
    "tpu.region"() ({
      %run_scoped3A_142 = tpu.sem_alloc : memref<!tpu.dma_semaphore, #tpu.memory_space<semaphore_mem>>
      %dma_start3A_143 = arith.constant 384 : i32
      %dma_start3A_144 = arith.constant 0 : i32
      %dma_start3A_145 = tpu.memref_slice %arg9[%dma_start3A_143, %dma_start3A_144] : memref<512x128xf32, #tpu.memory_space<vmem>> -> memref<128x128xf32, #tpu.memory_space<vmem>>
      %dma_start3A_146 = arith.constant 0 : i32
      %dma_start3A_147 = tpu.memref_slice %arg7[%run_scoped3A_131, %dma_start3A_146] : memref<4x128xi32, #tpu.memory_space<vmem>> -> memref<1x128xi32, #tpu.memory_space<vmem>>
      %dma_start3A_148 = tpu.memref_squeeze %dma_start3A_147 : memref<1x128xi32, #tpu.memory_space<vmem>> -> memref<128xi32, #tpu.memory_space<vmem>>
      %dma_start3A_149 = arith.constant 0 : i32
      %dma_start3A_150 = arith.constant 0 : i32
      %dma_start3A_151 = tpu.memref_slice %arg11[%dma_start3A_149, %dma_start3A_150] : memref<1024x128xf32, #tpu.memory_space<vmem_shared>> -> memref<1024x128xf32, #tpu.memory_space<vmem_shared>>
      tpu.enqueue_indirect_dma source(%dma_start3A_145 : memref<128x128xf32, #tpu.memory_space<vmem>>) target(%dma_start3A_151 : memref<1024x128xf32, #tpu.memory_space<vmem_shared>>) offsets(%dma_start3A_148 : memref<128xi32, #tpu.memory_space<vmem>>) semaphore(%run_scoped3A_142 : memref<!tpu.dma_semaphore, #tpu.memory_space<semaphore_mem>>) {add = true}
      %dma_wait3A_152 = arith.constant 384 : i32
      %dma_wait3A_153 = arith.constant 0 : i32
      %dma_wait3A_154 = tpu.memref_slice %arg9[%dma_wait3A_152, %dma_wait3A_153] : memref<512x128xf32, #tpu.memory_space<vmem>> -> memref<128x128xf32, #tpu.memory_space<vmem>>
      %dma_wait3A_155 = arith.constant 0 : i32
      %dma_wait3A_156 = tpu.memref_slice %arg7[%run_scoped3A_131, %dma_wait3A_155] : memref<4x128xi32, #tpu.memory_space<vmem>> -> memref<1x128xi32, #tpu.memory_space<vmem>>
      %dma_wait3A_157 = tpu.memref_squeeze %dma_wait3A_156 : memref<1x128xi32, #tpu.memory_space<vmem>> -> memref<128xi32, #tpu.memory_space<vmem>>
      %dma_wait3A_158 = arith.constant 0 : i32
      %dma_wait3A_159 = arith.constant 0 : i32
      %dma_wait3A_160 = tpu.memref_slice %arg11[%dma_wait3A_158, %dma_wait3A_159] : memref<1024x128xf32, #tpu.memory_space<vmem_shared>> -> memref<1024x128xf32, #tpu.memory_space<vmem_shared>>
      tpu.wait_indirect_dma semaphore(%run_scoped3A_142 : memref<!tpu.dma_semaphore, #tpu.memory_space<semaphore_mem>>) src(%dma_wait3A_154 : memref<128x128xf32, #tpu.memory_space<vmem>>) dst(%dma_wait3A_160 : memref<1024x128xf32, #tpu.memory_space<vmem_shared>>)
      tpu.yield
    }) : () -> ()
    %run_scoped3A_132 = arith.constant 3 : i32
    "tpu.region"() ({
      %run_scoped3A_142 = tpu.sem_alloc : memref<!tpu.dma_semaphore, #tpu.memory_space<semaphore_mem>>
      %dma_start3A_143 = arith.constant 384 : i32
      %dma_start3A_144 = arith.constant 0 : i32
      %dma_start3A_145 = tpu.memref_slice %arg9[%dma_start3A_143, %dma_start3A_144] : memref<512x128xf32, #tpu.memory_space<vmem>> -> memref<128x128xf32, #tpu.memory_space<vmem>>
      %dma_start3A_146 = arith.constant 0 : i32
      %dma_start3A_147 = tpu.memref_slice %arg8[%run_scoped3A_132, %dma_start3A_146] : memref<4x128xi32, #tpu.memory_space<vmem>> -> memref<1x128xi32, #tpu.memory_space<vmem>>
      %dma_start3A_148 = tpu.memref_squeeze %dma_start3A_147 : memref<1x128xi32, #tpu.memory_space<vmem>> -> memref<128xi32, #tpu.memory_space<vmem>>
      %dma_start3A_149 = arith.constant 0 : i32
      %dma_start3A_150 = arith.constant 0 : i32
      %dma_start3A_151 = tpu.memref_slice %arg12[%dma_start3A_149, %dma_start3A_150] : memref<1024x128xf32, #tpu.memory_space<vmem_shared>> -> memref<1024x128xf32, #tpu.memory_space<vmem_shared>>
      tpu.enqueue_indirect_dma source(%dma_start3A_145 : memref<128x128xf32, #tpu.memory_space<vmem>>) target(%dma_start3A_151 : memref<1024x128xf32, #tpu.memory_space<vmem_shared>>) offsets(%dma_start3A_148 : memref<128xi32, #tpu.memory_space<vmem>>) semaphore(%run_scoped3A_142 : memref<!tpu.dma_semaphore, #tpu.memory_space<semaphore_mem>>) {add = true}
      %dma_wait3A_152 = arith.constant 384 : i32
      %dma_wait3A_153 = arith.constant 0 : i32
      %dma_wait3A_154 = tpu.memref_slice %arg9[%dma_wait3A_152, %dma_wait3A_153] : memref<512x128xf32, #tpu.memory_space<vmem>> -> memref<128x128xf32, #tpu.memory_space<vmem>>
      %dma_wait3A_155 = arith.constant 0 : i32
      %dma_wait3A_156 = tpu.memref_slice %arg8[%run_scoped3A_132, %dma_wait3A_155] : memref<4x128xi32, #tpu.memory_space<vmem>> -> memref<1x128xi32, #tpu.memory_space<vmem>>
      %dma_wait3A_157 = tpu.memref_squeeze %dma_wait3A_156 : memref<1x128xi32, #tpu.memory_space<vmem>> -> memref<128xi32, #tpu.memory_space<vmem>>
      %dma_wait3A_158 = arith.constant 0 : i32
      %dma_wait3A_159 = arith.constant 0 : i32
      %dma_wait3A_160 = tpu.memref_slice %arg12[%dma_wait3A_158, %dma_wait3A_159] : memref<1024x128xf32, #tpu.memory_space<vmem_shared>> -> memref<1024x128xf32, #tpu.memory_space<vmem_shared>>
      tpu.wait_indirect_dma semaphore(%run_scoped3A_142 : memref<!tpu.dma_semaphore, #tpu.memory_space<semaphore_mem>>) src(%dma_wait3A_154 : memref<128x128xf32, #tpu.memory_space<vmem>>) dst(%dma_wait3A_160 : memref<1024x128xf32, #tpu.memory_space<vmem_shared>>)
      tpu.yield
    }) : () -> ()
    %barrier3A_133 = arith.constant 0 : index
    tpu.barrier barrier_id(%barrier3A_133)
    %mul3A_134 = arith.constant 64 : i32
    %mul3A_135 = arith.muli %arg1, %mul3A_134 : i32
    %mul3A_136 = arith.constant 64 : i32
    %mul3A_137 = arith.muli %arg1, %mul3A_136 : i32
    "tpu.region"() ({
      %run_scoped3A_142 = tpu.sem_alloc : memref<!tpu.dma_semaphore, #tpu.memory_space<semaphore_mem>>
      %dma_start3A_143 = arith.constant 0 : i32
      %dma_start3A_144 = tpu.memref_slice %arg5[%arg0, %mul3A_137, %dma_start3A_143] : memref<2x1024x128xf32, #tpu.memory_space<hbm>> -> memref<1x64x128xf32, #tpu.memory_space<hbm>>
      %dma_start3A_145 = tpu.memref_squeeze %dma_start3A_144 : memref<1x64x128xf32, #tpu.memory_space<hbm>> -> memref<64x128xf32, #tpu.memory_space<hbm>>
      %dma_start3A_146 = arith.constant 0 : i32
      %dma_start3A_147 = tpu.memref_slice %arg11[%mul3A_135, %dma_start3A_146] : memref<1024x128xf32, #tpu.memory_space<vmem_shared>> -> memref<64x128xf32, #tpu.memory_space<vmem_shared>>
      tpu.enqueue_dma source(%dma_start3A_147 : memref<64x128xf32, #tpu.memory_space<vmem_shared>>) target(%dma_start3A_145 : memref<64x128xf32, #tpu.memory_space<hbm>>) target_semaphore(%run_scoped3A_142 : memref<!tpu.dma_semaphore, #tpu.memory_space<semaphore_mem>>)
      %dma_wait3A_148 = arith.constant 0 : i32
      %dma_wait3A_149 = tpu.memref_slice %arg5[%arg0, %mul3A_137, %dma_wait3A_148] : memref<2x1024x128xf32, #tpu.memory_space<hbm>> -> memref<1x64x128xf32, #tpu.memory_space<hbm>>
      %dma_wait3A_150 = tpu.memref_squeeze %dma_wait3A_149 : memref<1x64x128xf32, #tpu.memory_space<hbm>> -> memref<64x128xf32, #tpu.memory_space<hbm>>
      %dma_wait3A_151 = arith.constant 0 : i32
      %dma_wait3A_152 = tpu.memref_slice %arg11[%mul3A_135, %dma_wait3A_151] : memref<1024x128xf32, #tpu.memory_space<vmem_shared>> -> memref<64x128xf32, #tpu.memory_space<vmem_shared>>
      tpu.wait_dma2 semaphore(%run_scoped3A_142 : memref<!tpu.dma_semaphore, #tpu.memory_space<semaphore_mem>>) src(%dma_wait3A_152 : memref<64x128xf32, #tpu.memory_space<vmem_shared>>) dst(%dma_wait3A_150 : memref<64x128xf32, #tpu.memory_space<hbm>>)
      tpu.yield
    }) : () -> ()
    %mul3A_138 = arith.constant 64 : i32
    %mul3A_139 = arith.muli %arg1, %mul3A_138 : i32
    %mul3A_140 = arith.constant 64 : i32
    %mul3A_141 = arith.muli %arg1, %mul3A_140 : i32
    "tpu.region"() ({
      %run_scoped3A_142 = tpu.sem_alloc : memref<!tpu.dma_semaphore, #tpu.memory_space<semaphore_mem>>
      %dma_start3A_143 = arith.constant 0 : i32
      %dma_start3A_144 = tpu.memref_slice %arg6[%arg0, %mul3A_141, %dma_start3A_143] : memref<2x1024x128xf32, #tpu.memory_space<hbm>> -> memref<1x64x128xf32, #tpu.memory_space<hbm>>
      %dma_start3A_145 = tpu.memref_squeeze %dma_start3A_144 : memref<1x64x128xf32, #tpu.memory_space<hbm>> -> memref<64x128xf32, #tpu.memory_space<hbm>>
      %dma_start3A_146 = arith.constant 0 : i32
      %dma_start3A_147 = tpu.memref_slice %arg12[%mul3A_139, %dma_start3A_146] : memref<1024x128xf32, #tpu.memory_space<vmem_shared>> -> memref<64x128xf32, #tpu.memory_space<vmem_shared>>
      tpu.enqueue_dma source(%dma_start3A_147 : memref<64x128xf32, #tpu.memory_space<vmem_shared>>) target(%dma_start3A_145 : memref<64x128xf32, #tpu.memory_space<hbm>>) target_semaphore(%run_scoped3A_142 : memref<!tpu.dma_semaphore, #tpu.memory_space<semaphore_mem>>)
      %dma_wait3A_148 = arith.constant 0 : i32
      %dma_wait3A_149 = tpu.memref_slice %arg6[%arg0, %mul3A_141, %dma_wait3A_148] : memref<2x1024x128xf32, #tpu.memory_space<hbm>> -> memref<1x64x128xf32, #tpu.memory_space<hbm>>
      %dma_wait3A_150 = tpu.memref_squeeze %dma_wait3A_149 : memref<1x64x128xf32, #tpu.memory_space<hbm>> -> memref<64x128xf32, #tpu.memory_space<hbm>>
      %dma_wait3A_151 = arith.constant 0 : i32
      %dma_wait3A_152 = tpu.memref_slice %arg12[%mul3A_139, %dma_wait3A_151] : memref<1024x128xf32, #tpu.memory_space<vmem_shared>> -> memref<64x128xf32, #tpu.memory_space<vmem_shared>>
      tpu.wait_dma2 semaphore(%run_scoped3A_142 : memref<!tpu.dma_semaphore, #tpu.memory_space<semaphore_mem>>) src(%dma_wait3A_152 : memref<64x128xf32, #tpu.memory_space<vmem_shared>>) dst(%dma_wait3A_150 : memref<64x128xf32, #tpu.memory_space<hbm>>)
      tpu.yield
    }) : () -> ()
    return
  }
}

module attributes {stable_mosaic.version = 14 : i64} {
  func.func @_matmul_top2_body(%arg0: i32, %arg1: memref<1024x128xf32, #tpu.memory_space<vmem>>, %arg2: memref<1024x128xf32, #tpu.memory_space<vmem>>, %arg3: memref<1024x1024xf32, #tpu.memory_space<vmem>>, %arg4: memref<128x128xi32, #tpu.memory_space<vmem>>, %arg5: memref<128x128xi32, #tpu.memory_space<vmem>>, %arg6: memref<1024x1024xf32, #tpu.memory_space<vmem>>) attributes {dimension_semantics = [#tpu.dimension_semantics<arbitrary>], iteration_bounds = array<i64: 16>, scalar_prefetch = 0 : i64, scratch_operands = 1 : i64, tpu.core_type = #tpu.core_type<tc>, window_params = [{transform_indices = @transform_0, window_bounds = array<i64: 1024, 128>}, {pipeline_mode = #tpu.pipeline_mode<synchronous>, transform_indices = @transform_1, window_bounds = array<i64: 1024, 128>}, {transform_indices = @transform_2, window_bounds = array<i64: 1024, 1024>}, {pipeline_mode = #tpu.pipeline_mode<synchronous>, transform_indices = @transform_3, window_bounds = array<i64: 128, 128>}, {pipeline_mode = #tpu.pipeline_mode<synchronous>, transform_indices = @transform_4, window_bounds = array<i64: 128, 128>}]} {
    %eq3A = arith.constant 0 : i32
    %eq3A_0 = arith.cmpi eq, %arg0, %eq3A : i32
    %convert_element_type3A = arith.extui %eq3A_0 : i1 to i32
    %cond3A = arith.constant 0 : i32
    %cond3A_1 = arith.cmpi ne, %convert_element_type3A, %cond3A : i32
    scf.if %cond3A_1 {
      %iota3A_75 = tpu.iota {dimensions = array<i32: 0>} : vector<1024x1024xi32>
      %iota3A_76 = tpu.iota {dimensions = array<i32: 1>} : vector<1024x1024xi32>
      %eq3A_77 = arith.cmpi eq, %iota3A_75, %iota3A_76 : vector<1024x1024xi32>
      %convert_element_type3A_78 = arith.extui %eq3A_77 : vector<1024x1024xi1> to vector<1024x1024xi32>
      %convert_element_type3A_79 = arith.sitofp %convert_element_type3A_78 : vector<1024x1024xi32> to vector<1024x1024xf32>
      %swap3A_80 = arith.constant 0 : index
      %swap3A_81 = arith.constant 0 : index
      %swap3A_82 = vector.load %arg6[%swap3A_80, %swap3A_81] : memref<1024x1024xf32, #tpu.memory_space<vmem>>, vector<1024x1024xf32>
      tpu.vector_store %arg6[%swap3A_80, %swap3A_81], %convert_element_type3A_79 {strides = array<i32>} : memref<1024x1024xf32, #tpu.memory_space<vmem>>, vector<1024x1024xf32>,
    } else {
    }
    %get3A = arith.constant 0 : index
    %get3A_2 = arith.constant 0 : index
    %get3A_3 = vector.load %arg1[%get3A, %get3A_2] : memref<1024x128xf32, #tpu.memory_space<vmem>>, vector<1024x128xf32>
    %get3A_4 = arith.constant 0 : index
    %get3A_5 = arith.constant 0 : index
    %get3A_6 = vector.load %arg2[%get3A_4, %get3A_5] : memref<1024x128xf32, #tpu.memory_space<vmem>>, vector<1024x128xf32>
    %dot_general3A = arith.constant dense<0.000000e+00> : vector<1024x1024xf32>
    %dot_general3A_7 = tpu.matmul %get3A_3, %get3A_6, %dot_general3A {dimension_numbers = #tpu.dot_dimension_numbers<[1], [1], [0], [0], [0, 0, 1, 0], [], []>, transpose_lhs_hint = false} : vector<1024x128xf32>, vector<1024x128xf32>, vector<1024x1024xf32> -> vector<1024x1024xf32>
    %swap3A = arith.constant 0 : index
    %swap3A_8 = arith.constant 0 : index
    %swap3A_9 = vector.load %arg3[%swap3A, %swap3A_8] : memref<1024x1024xf32, #tpu.memory_space<vmem>>, vector<1024x1024xf32>
    tpu.vector_store %arg3[%swap3A, %swap3A_8], %dot_general3A_7 {strides = array<i32>} : memref<1024x1024xf32, #tpu.memory_space<vmem>>, vector<1024x1024xf32>,
    %iota3A = tpu.iota {dimensions = array<i32: 1>} : vector<1024x1024xi32>
    %convert_element_type3A_10 = arith.sitofp %iota3A : vector<1024x1024xi32> to vector<1024x1024xf32>
    %reduce_max3A = arith.constant dense<0xFF800000> : vector<1024xf32>
    %reduce_max3A_11 = vector.multi_reduction <maximumf>, %dot_general3A_7, %reduce_max3A [1] : vector<1024x1024xf32> to vector<1024xf32>
    %broadcast_in_dim3A = vector.shape_cast %reduce_max3A_11 : vector<1024xf32> to vector<1024x1xf32>
    %eq3A_12 = vector.broadcast %broadcast_in_dim3A : vector<1024x1xf32> to vector<1024x1024xf32>
    %eq3A_13 = arith.cmpf oeq, %dot_general3A_7, %eq3A_12 : vector<1024x1024xf32>
    %jit3A = arith.constant -1.000000e+00 : f32
    %broadcast_in_dim3A_14 = vector.broadcast %jit3A : f32 to vector<1024x1024xf32>
    %select_n3A = arith.select %eq3A_13, %convert_element_type3A_10, %broadcast_in_dim3A_14 : vector<1024x1024xi1>, vector<1024x1024xf32>
    %reduce_max3A_15 = arith.constant dense<0xFF800000> : vector<1024xf32>
    %reduce_max3A_16 = vector.multi_reduction <maximumf>, %select_n3A, %reduce_max3A_15 [1] : vector<1024x1024xf32> to vector<1024xf32>
    %broadcast_in_dim3A_17 = vector.shape_cast %reduce_max3A_16 : vector<1024xf32> to vector<1024x1xf32>
    %eq3A_18 = vector.broadcast %broadcast_in_dim3A_17 : vector<1024x1xf32> to vector<1024x1024xf32>
    %eq3A_19 = arith.cmpf oeq, %convert_element_type3A_10, %eq3A_18 : vector<1024x1024xf32>
    %jit3A_20 = arith.constant 0xFF800000 : f32
    %broadcast_in_dim3A_21 = vector.broadcast %jit3A_20 : f32 to vector<1024x1024xf32>
    %select_n3A_22 = arith.select %eq3A_19, %broadcast_in_dim3A_21, %dot_general3A_7 : vector<1024x1024xi1>, vector<1024x1024xf32>
    %reduce_max3A_23 = arith.constant dense<0xFF800000> : vector<1024xf32>
    %reduce_max3A_24 = vector.multi_reduction <maximumf>, %select_n3A_22, %reduce_max3A_23 [1] : vector<1024x1024xf32> to vector<1024xf32>
    %broadcast_in_dim3A_25 = vector.shape_cast %reduce_max3A_24 : vector<1024xf32> to vector<1024x1xf32>
    %eq3A_26 = vector.broadcast %broadcast_in_dim3A_25 : vector<1024x1xf32> to vector<1024x1024xf32>
    %eq3A_27 = arith.cmpf oeq, %select_n3A_22, %eq3A_26 : vector<1024x1024xf32>
    %jit3A_28 = arith.constant -1.000000e+00 : f32
    %broadcast_in_dim3A_29 = vector.broadcast %jit3A_28 : f32 to vector<1024x1024xf32>
    %select_n3A_30 = arith.select %eq3A_27, %convert_element_type3A_10, %broadcast_in_dim3A_29 : vector<1024x1024xi1>, vector<1024x1024xf32>
    %reduce_max3A_31 = arith.constant dense<0xFF800000> : vector<1024xf32>
    %reduce_max3A_32 = vector.multi_reduction <maximumf>, %select_n3A_30, %reduce_max3A_31 [1] : vector<1024x1024xf32> to vector<1024xf32>
    %broadcast_in_dim3A_33 = vector.shape_cast %reduce_max3A_32 : vector<1024xf32> to vector<1024x1xf32>
    %mul3A = arith.constant 3.125000e-02 : f32
    %mul3A_34 = vector.broadcast %mul3A : f32 to vector<1024x1xf32>
    %mul3A_35 = arith.mulf %broadcast_in_dim3A_17, %mul3A_34 : vector<1024x1xf32>
    %floor3A = math.floor %mul3A_35 : vector<1024x1xf32>
    %mul3A_36 = arith.constant 3.200000e+01 : f32
    %mul3A_37 = vector.broadcast %mul3A_36 : f32 to vector<1024x1xf32>
    %mul3A_38 = arith.mulf %floor3A, %mul3A_37 : vector<1024x1xf32>
    %sub3A = arith.subf %broadcast_in_dim3A_17, %mul3A_38 : vector<1024x1xf32>
    %mul3A_39 = arith.constant 3.125000e-02 : f32
    %mul3A_40 = vector.broadcast %mul3A_39 : f32 to vector<1024x1xf32>
    %mul3A_41 = arith.mulf %broadcast_in_dim3A_33, %mul3A_40 : vector<1024x1xf32>
    %floor3A_42 = math.floor %mul3A_41 : vector<1024x1xf32>
    %mul3A_43 = arith.constant 3.200000e+01 : f32
    %mul3A_44 = vector.broadcast %mul3A_43 : f32 to vector<1024x1xf32>
    %mul3A_45 = arith.mulf %floor3A_42, %mul3A_44 : vector<1024x1xf32>
    %sub3A_46 = arith.subf %broadcast_in_dim3A_33, %mul3A_45 : vector<1024x1xf32>
    %concatenate3A = tpu.concatenate %floor3A, %sub3A, %floor3A_42, %sub3A_46 in 1 : vector<1024x1xf32>, vector<1024x1xf32>, vector<1024x1xf32>, vector<1024x1xf32> -> vector<1024x4xf32>
    %get3A_47 = arith.constant 0 : index
    %get3A_48 = arith.constant 0 : index
    %get3A_49 = vector.load %arg6[%get3A_47, %get3A_48] : memref<1024x1024xf32, #tpu.memory_space<vmem>>, vector<1024x1024xf32>
    %dot_general3A_50 = arith.constant dense<0.000000e+00> : vector<4x1024xf32>
    %dot_general3A_51 = tpu.matmul %concatenate3A, %get3A_49, %dot_general3A_50 {dimension_numbers = #tpu.dot_dimension_numbers<[0], [0], [1], [1], [0, 1, 1, 1], [], []>, transpose_lhs_hint = false} : vector<1024x4xf32>, vector<1024x1024xf32>, vector<4x1024xf32> -> vector<4x1024xf32>
    %slice3A = vector.extract_strided_slice %dot_general3A_51 {offsets = [0, 0], sizes = [1, 1024], strides = [1, 1]} : vector<4x1024xf32> to vector<1x1024xf32>
    %mul3A_52 = arith.constant 3.200000e+01 : f32
    %mul3A_53 = vector.broadcast %mul3A_52 : f32 to vector<1x1024xf32>
    %mul3A_54 = arith.mulf %slice3A, %mul3A_53 : vector<1x1024xf32>
    %slice3A_55 = vector.extract_strided_slice %dot_general3A_51 {offsets = [1, 0], sizes = [1, 1024], strides = [1, 1]} : vector<4x1024xf32> to vector<1x1024xf32>
    %add3A = arith.addf %mul3A_54, %slice3A_55 : vector<1x1024xf32>
    %convert_element_type3A_56 = arith.fptosi %add3A : vector<1x1024xf32> to vector<1x1024xi32>
    %reshape3A = vector.shape_cast %convert_element_type3A_56 : vector<1x1024xi32> to vector<8x128xi32>
    %mul3A_57 = arith.constant 8 : i32
    %mul3A_58 = arith.muli %arg0, %mul3A_57 : i32
    %swap3A_59 = arith.index_cast %mul3A_58 : i32 to index
    %swap3A_60 = arith.constant 0 : index
    %swap3A_61 = vector.load %arg4[%swap3A_59, %swap3A_60] : memref<128x128xi32, #tpu.memory_space<vmem>>, vector<8x128xi32>
    tpu.vector_store %arg4[%swap3A_59, %swap3A_60], %reshape3A {strides = array<i32>} : memref<128x128xi32, #tpu.memory_space<vmem>>, vector<8x128xi32>,
    %slice3A_62 = vector.extract_strided_slice %dot_general3A_51 {offsets = [2, 0], sizes = [1, 1024], strides = [1, 1]} : vector<4x1024xf32> to vector<1x1024xf32>
    %mul3A_63 = arith.constant 3.200000e+01 : f32
    %mul3A_64 = vector.broadcast %mul3A_63 : f32 to vector<1x1024xf32>
    %mul3A_65 = arith.mulf %slice3A_62, %mul3A_64 : vector<1x1024xf32>
    %slice3A_66 = vector.extract_strided_slice %dot_general3A_51 {offsets = [3, 0], sizes = [1, 1024], strides = [1, 1]} : vector<4x1024xf32> to vector<1x1024xf32>
    %add3A_67 = arith.addf %mul3A_65, %slice3A_66 : vector<1x1024xf32>
    %convert_element_type3A_68 = arith.fptosi %add3A_67 : vector<1x1024xf32> to vector<1x1024xi32>
    %reshape3A_69 = vector.shape_cast %convert_element_type3A_68 : vector<1x1024xi32> to vector<8x128xi32>
    %mul3A_70 = arith.constant 8 : i32
    %mul3A_71 = arith.muli %arg0, %mul3A_70 : i32
    %swap3A_72 = arith.index_cast %mul3A_71 : i32 to index
    %swap3A_73 = arith.constant 0 : index
    %swap3A_74 = vector.load %arg5[%swap3A_72, %swap3A_73] : memref<128x128xi32, #tpu.memory_space<vmem>>, vector<8x128xi32>
    tpu.vector_store %arg5[%swap3A_72, %swap3A_73], %reshape3A_69 {strides = array<i32>} : memref<128x128xi32, #tpu.memory_space<vmem>>, vector<8x128xi32>,
    return
  }
  func.func @transform_0(%arg0: i32) -> (i32, i32) {
    %c0_i32 = arith.constant 0 : i32
    %c0_i32_0 = arith.constant 0 : i32
    return %arg0, %c0_i32 : i32, i32
  }
  func.func @transform_1(%arg0: i32) -> (i32, i32) {
    %c0_i32 = arith.constant 0 : i32
    %c0_i32_0 = arith.constant 0 : i32
    %c0_i32_1 = arith.constant 0 : i32
    return %c0_i32, %c0_i32_0 : i32, i32
  }
  func.func @transform_2(%arg0: i32) -> (i32, i32) {
    %c0_i32 = arith.constant 0 : i32
    %c0_i32_0 = arith.constant 0 : i32
    return %arg0, %c0_i32 : i32, i32
  }
  func.func @transform_3(%arg0: i32) -> (i32, i32) {
    %c0_i32 = arith.constant 0 : i32
    %c0_i32_0 = arith.constant 0 : i32
    %c0_i32_1 = arith.constant 0 : i32
    return %c0_i32, %c0_i32_0 : i32, i32
  }
  func.func @transform_4(%arg0: i32) -> (i32, i32) {
    %c0_i32 = arith.constant 0 : i32
    %c0_i32_0 = arith.constant 0 : i32
    %c0_i32_1 = arith.constant 0 : i32
    return %c0_i32, %c0_i32_0 : i32, i32
  }
}

module attributes {stable_mosaic.version = 14 : i64} {
  func.func @_finalize_body(%arg0: memref<1024x128xf32, #tpu.memory_space<vmem>>, %arg1: memref<2x1024x128xf32, #tpu.memory_space<vmem>>, %arg2: memref<2x1024x128xf32, #tpu.memory_space<vmem>>, %arg3: memref<1024x128xf32, #tpu.memory_space<vmem>>) attributes {dimension_semantics = [], scalar_prefetch = 0 : i64, scratch_operands = 0 : i64, tpu.core_type = #tpu.core_type<tc>} {
    %get3A = arith.constant 0 : index
    %get3A_0 = arith.constant 0 : index
    %get3A_1 = vector.load %arg0[%get3A, %get3A_0] : memref<1024x128xf32, #tpu.memory_space<vmem>>, vector<1024x128xf32>
    %get3A_2 = arith.constant 0 : index
    %get3A_3 = arith.constant 0 : index
    %get3A_4 = arith.constant 0 : index
    %get3A_5 = vector.load %arg1[%get3A_2, %get3A_3, %get3A_4] : memref<2x1024x128xf32, #tpu.memory_space<vmem>>, vector<1x1024x128xf32>
    %get3A_6 = vector.shape_cast %get3A_5 : vector<1x1024x128xf32> to vector<1024x128xf32>
    %get3A_7 = arith.constant 1 : index
    %get3A_8 = arith.constant 0 : index
    %get3A_9 = arith.constant 0 : index
    %get3A_10 = vector.load %arg1[%get3A_7, %get3A_8, %get3A_9] : memref<2x1024x128xf32, #tpu.memory_space<vmem>>, vector<1x1024x128xf32>
    %get3A_11 = vector.shape_cast %get3A_10 : vector<1x1024x128xf32> to vector<1024x128xf32>
    %add3A = arith.addf %get3A_6, %get3A_11 : vector<1024x128xf32>
    %get3A_12 = arith.constant 0 : index
    %get3A_13 = arith.constant 0 : index
    %get3A_14 = arith.constant 0 : index
    %get3A_15 = vector.load %arg2[%get3A_12, %get3A_13, %get3A_14] : memref<2x1024x128xf32, #tpu.memory_space<vmem>>, vector<1x1024x128xf32>
    %get3A_16 = vector.shape_cast %get3A_15 : vector<1x1024x128xf32> to vector<1024x128xf32>
    %get3A_17 = arith.constant 1 : index
    %get3A_18 = arith.constant 0 : index
    %get3A_19 = arith.constant 0 : index
    %get3A_20 = vector.load %arg2[%get3A_17, %get3A_18, %get3A_19] : memref<2x1024x128xf32, #tpu.memory_space<vmem>>, vector<1x1024x128xf32>
    %get3A_21 = vector.shape_cast %get3A_20 : vector<1x1024x128xf32> to vector<1024x128xf32>
    %add3A_22 = arith.addf %get3A_16, %get3A_21 : vector<1024x128xf32>
    %mul3A = arith.constant 4.000000e-01 : f32
    %mul3A_23 = vector.broadcast %mul3A : f32 to vector<1024x128xf32>
    %mul3A_24 = arith.mulf %mul3A_23, %add3A_22 : vector<1024x128xf32>
    %sub3A = arith.subf %add3A, %mul3A_24 : vector<1024x128xf32>
    %mul3A_25 = arith.mulf %get3A_1, %sub3A : vector<1024x128xf32>
    %reduce_sum3A = arith.constant dense<0.000000e+00> : vector<1024xf32>
    %reduce_sum3A_26 = vector.multi_reduction <add>, %mul3A_25, %reduce_sum3A [1] : vector<1024x128xf32> to vector<1024xf32>
    %broadcast_in_dim3A = vector.shape_cast %reduce_sum3A_26 : vector<1024xf32> to vector<1024x1xf32>
    %mul3A_27 = vector.broadcast %broadcast_in_dim3A : vector<1024x1xf32> to vector<1024x128xf32>
    %mul3A_28 = arith.mulf %mul3A_27, %get3A_1 : vector<1024x128xf32>
    %sub3A_29 = arith.subf %sub3A, %mul3A_28 : vector<1024x128xf32>
    %abs3A = math.absf %sub3A_29 : vector<1024x128xf32>
    %reduce_max3A = vector.shape_cast %abs3A : vector<1024x128xf32> to vector<1x1024x128xf32>
    %reduce_max3A_30 = arith.constant dense<0xFF800000> : vector<1xf32>
    %reduce_max3A_31 = vector.multi_reduction <maximumf>, %reduce_max3A, %reduce_max3A_30 [1, 2] : vector<1x1024x128xf32> to vector<1xf32>
    %reduce_max3A_32 = vector.shape_cast %reduce_max3A_31 : vector<1xf32> to vector<1x1x1xf32>
    %reduce_max3A_33 = vector.extract %reduce_max3A_32[0, 0, 0] : f32 from vector<1x1x1xf32>
    %max3A = arith.constant 1.000000e-30 : f32
    %max3A_34 = arith.maximumf %reduce_max3A_33, %max3A : f32
    %div3A = vector.broadcast %max3A_34 : f32 to vector<1024x128xf32>
    %div3A_35 = arith.divf %sub3A_29, %div3A : vector<1024x128xf32>
    %mul3A_36 = arith.constant 1.000000e-03 : f32
    %mul3A_37 = vector.broadcast %mul3A_36 : f32 to vector<1024x128xf32>
    %mul3A_38 = arith.mulf %mul3A_37, %div3A_35 : vector<1024x128xf32>
    %add3A_39 = arith.addf %get3A_1, %mul3A_38 : vector<1024x128xf32>
    %swap3A = arith.constant 0 : index
    %swap3A_40 = arith.constant 0 : index
    %swap3A_41 = vector.load %arg3[%swap3A, %swap3A_40] : memref<1024x128xf32, #tpu.memory_space<vmem>>, vector<1024x128xf32>
    tpu.vector_store %arg3[%swap3A, %swap3A_40], %add3A_39 {strides = array<i32>} : memref<1024x128xf32, #tpu.memory_space<vmem>>, vector<1024x128xf32>,
    return
  }
}

</mosaic_0001>

<sc_bundles>
// kernel: kernel.5.cloned.1.call-start
scs
__scs_entry_jumppad:
0x0: {  	(pc) =	sbr.rel $0x88, $3  }
0x1: {  	(tag) =	ssettag $0x0;
	lr =	simm.s32 $0x1  }
0x2: {  	[smem:$0x3F9F] =	sst lr;
	_ =	strace $0xD0000000  }
0x3: {  	_ = 	snop  }
0x4: {  	_ = 	snop  }
0x5: {  	_ = 	snop  }
0x6: {  	_ = 	snop  }
0x7: {  	_ = 	snop  }
__scs_overlays_trampoline_lowered:
0x8: {  	[smem:$0x3FAE] =	sst s0  }
0x9: {  	[smem:$0x3FAF] =	sst s1  }
0xa: {  	[smem:$0x3FB0] =	sst s2  }
0xb: {  	[smem:$0x3FB1] =	sst s3  }
0xc: {  	[smem:$0x3FB2] =	sst s4  }
0xd: {  	[smem:$0x3FB3] =	sst s5  }
0xe: {  	[smem:$0x3FB4] =	sst s6  }
0xf: {  	[smem:$0x3FB5] =	sst s7  }
0x10: {  	[smem:$0x3FB6] =	sst s8  }
0x11: {  	[smem:$0x3FB7] =	sst s9;
	s0 =	simm.s32 @!p0 $0x0  }
0x12: {  	s1 =	sld [smem:$0x3F9D];
	s0 =	simm.s32 @p0 $0x1  }
0x13: {  	[smem:$0x3FB8] =	sst s0;
	s0 =	simm.s32 @!p1 $0x0  }
0x14: {  	s2 =	sld [smem:$0x3F9C];
	s0 =	simm.s32 @p1 $0x1  }
0x15: {  	[smem:$0x3FB9] =	sst s0;
	s0 =	simm.s32 @!p2 $0x0  }
0x16: {  	s3 =	sld [smem:$0x3FDB];
	s0 =	simm.s32 @p2 $0x1  }
0x17: {  	s4 =	simm.s32 $0x1BF5;
	[smem:$0x3FBB] =	sst s0  }
0x18: {  	s0 =	sld [smem:$0x3F9E];
	_ =	swait.ge [sflag:s4], $0x0  }
0x19: {  	s7 =	sld [smem:$0x3F9F]  }
0x1a: {  	s8 =	sadd.s32 $0xFFFFE003, lr  }
0x1b: {  	s9 =	sadd.s32 $0xFFFFFEF7, lr;
	s5 =	simm.s32 $0xFFFFFFFF;
	p2 =	slt.u32 s8, $0xFFFFF086  }
0x1c: {  	p1 =	slt.u32 s9, $0xF7A;
	s5 =	simm.s32 @!p2 $0x0  }
0x1d: {  	s5 =	simm.s32 @p1 $0x1;
	p0 =	seq.s32 s7, s2  }
0x1e: {  	s7 =	smul.u32 @!p0 $0xF7A, s2;
	p2 =	seq.s32 @!p0 s5, $0x0  }
0x1f: {  	s9 =	smul.u32 $0xF7A, s1;
	s8 =	simm.s32 @!p0 $0x1BF5;
	p2 =	por !p2, p0  }
0x20: {  	[sflag:s8] =	ssyncset.s32 @!p0 $0xFFFFF086;
	s6 =	sadd.s32 @!p0 s3, s7;
	s7 =	simm.s32 @!p0 $0x108  }
0x21: {  	s3 =	sadd.s32 s3, s9;
	s6 =	sadd.s32 @!p0 $0x88, s6;
	s7 =	simm.s32 @p2 $0x1082  }
0x22: {  	[simem:s7], [sflag:s8] =	dma.local @!p0 [hbm:s6], $0xF7A  }
0x23: {  	s9 =	sor.u32 $0xD0000000, s2;
	s6 =	simm.s32 $0x108;
	_ =	swait.ge @!p0 [sflag:s8], $0x0  }
0x24: {  	s3 =	sadd.s32 $0x88, s3;
	s6 =	simm.s32 @!p1 $0x1082;
	[sflag:s4] =	ssyncset.s32 $0xFFFFF086  }
0x25: {  	[simem:s6], [sflag:s4] =	dma.local [hbm:s3], $0xF7A  }
0x26: {  	[smem:$0x3F9F] =	sst s1;
	(tag) =	ssettag s2;
	_ =	strace s9  }
0x27: {  	s1 =	sld [smem:$0x3FAF]  }
0x28: {  	s2 =	sld [smem:$0x3FB0]  }
0x29: {  	s4 =	sld [smem:$0x3FB2]  }
0x2a: {  	p0 =	seq.s32 s5, $0x0;
	s5 =	sld [smem:$0x3FB3]  }
0x2b: {  	s6 =	sld [smem:$0x3FB4]  }
0x2c: {  	s7 =	sld [smem:$0x3FB5]  }
0x2d: {  	s3 =	simm.s32 $0x108;
	s8 =	sld [smem:$0x3FB6]  }
0x2e: {  	s3 =	simm.s32 @!p0 $0x1082;
	s9 =	sld [smem:$0x3FB7]  }
0x2f: {  	lr =	sadd.s32 s0, s3;
	s0 =	sld [smem:$0x3FAE]  }
0x30: {  	s3 =	sld [smem:$0x3FB1]  }
0x31: {  	[smem:$0x3FBA] =	sst s10  }
0x32: {  	s10 =	sld [smem:$0x3FB8];
	_ =	sdelay $0x3  }
0x33: {  	p0 =	seq.s32 s10, $0x1;
	s10 =	sld [smem:$0x3FBA];
	_ =	sdelay $0x3  }
0x34: {  	[smem:$0x3FBA] =	sst s10  }
0x35: {  	s10 =	sld [smem:$0x3FB9];
	_ =	sdelay $0x3  }
0x36: {  	p1 =	seq.s32 s10, $0x1;
	s10 =	sld [smem:$0x3FBA];
	_ =	sdelay $0x3  }
0x37: {  	[smem:$0x3FBA] =	sst s10  }
0x38: {  	s10 =	sld [smem:$0x3FBB]  }
0x39: {  	_ = 	snop;
	(pc) =	sbr.ind lr, $3  }
0x3a: {  	_ = 	snop  }
0x3b: {  	_ = 	snop  }
0x3c: {  	p2 =	seq.s32 s10, $0x1;
	s10 =	sld [smem:$0x3FBA]  }
0x3d: {  	_ =	shalt  }
0x3e: {  	_ =	shalt  }
0x3f: {  	_ =	shalt  }
0x40: {  	_ =	shalt  }
0x41: {  	_ =	shalt  }
0x42: {  	_ =	shalt  }
0x43: {  	_ =	shalt  }
0x44: {  	_ =	shalt  }
0x45: {  	_ =	shalt  }
0x46: {  	_ =	shalt  }
0x47: {  	_ =	shalt  }
0x48: {  	_ =	shalt  }
0x49: {  	_ =	shalt  }
0x4a: {  	_ =	shalt  }
0x4b: {  	_ =	shalt  }
0x4c: {  	_ =	shalt  }
0x4d: {  	_ =	shalt  }
0x4e: {  	_ =	shalt  }
0x4f: {  	_ =	shalt  }
0x50: {  	_ =	shalt  }
0x51: {  	_ =	shalt  }
0x52: {  	_ =	shalt  }
0x53: {  	_ =	shalt  }
0x54: {  	_ =	shalt  }
0x55: {  	_ =	shalt  }
0x56: {  	_ =	shalt  }
0x57: {  	_ =	shalt  }
0x58: {  	_ =	shalt  }
0x59: {  	_ =	shalt  }
0x5a: {  	_ =	shalt  }
0x5b: {  	_ =	shalt  }
0x5c: {  	_ =	shalt  }
0x5d: {  	_ =	shalt  }
0x5e: {  	_ =	shalt  }
0x5f: {  	_ =	shalt  }
0x60: {  	_ =	shalt  }
0x61: {  	_ =	shalt  }
0x62: {  	_ =	shalt  }
0x63: {  	_ =	shalt  }
0x64: {  	_ =	shalt  }
0x65: {  	_ =	shalt  }
0x66: {  	_ =	shalt  }
0x67: {  	_ =	shalt  }
0x68: {  	_ =	shalt  }
0x69: {  	_ =	shalt  }
0x6a: {  	_ =	shalt  }
0x6b: {  	_ =	shalt  }
0x6c: {  	_ =	shalt  }
0x6d: {  	_ =	shalt  }
0x6e: {  	_ =	shalt  }
0x6f: {  	_ =	shalt  }
0x70: {  	_ =	shalt  }
0x71: {  	_ =	shalt  }
0x72: {  	_ =	shalt  }
0x73: {  	_ =	shalt  }
0x74: {  	_ =	shalt  }
0x75: {  	_ =	shalt  }
0x76: {  	_ =	shalt  }
0x77: {  	_ =	shalt  }
0x78: {  	_ =	shalt  }
0x79: {  	_ =	shalt  }
0x7a: {  	_ =	shalt  }
0x7b: {  	_ =	shalt  }
0x7c: {  	_ =	shalt  }
0x7d: {  	_ =	shalt  }
0x7e: {  	_ =	shalt  }
0x7f: {  	_ =	shalt  }
0x80: {  	_ =	shalt  }
0x81: {  	_ =	shalt  }
0x82: {  	_ =	shalt  }
0x83: {  	_ =	shalt  }
0x84: {  	_ =	shalt  }
0x85: {  	_ =	shalt  }
0x86: {  	_ =	shalt  }
0x87: {  	_ =	shalt  }
.Lfunc_end0:
.L_simem_size_0:
called_computation_lowered:
.L_overlay_start_0:
0x88: {  	s2 =	sld [smem:$0x3FD9]  }
0x89: {  	s3 =	sld [smem:$0x3FFE];
	_ =	sdelay $0x1  }
0x8a: {  	s1 =	srdreg.scid  }
0x8b: {  	s0 =	sand.u32 $0x1, s1  }
0x8c: {  	s14 =	sshll.u32 s0, $0xA;
	s2 =	sadd.s32 s3, s2  }
0x8d: {  	s2 =	sadd.s32 s2, s14  }
0x8e: {  	[smem:$0x3FC6] =	sst s2  }
0x8f: {  	_ = 	snop  }
0x90: {  	s2 =	sld [smem:$0x3FD0];
	_ =	sdelay $0x2  }
0x91: {  	s4 =	simm.s32 $0xA;
	s5 =	simm.s32 $0x10;
	s15 =	sld [smem:$0x3FC9]  }
0x92: {  	[smem:s5], [sflag:s4] =	dma.local [hbm:s2], $0x1  }
0x93: {  	_ =	swait.eq [sflag:s4], $0x1  }
0x94: {  	[sflag:s4] =	ssyncset.done $0x0  }
0x95: {  	[sflag:s4] =	ssyncadd.s32 $0xFFFFFFFF  }
0x96: {  	s16 =	sld [smem:$0x11];
	(tm) =	ssettm $0x1  }
0x97: {  	s17 =	sld [smem:$0x3FFB];
	_ =	sdelay $0x3  }
0x98: {  	_ =	strace s17  }
0x99: {  	s4 =	sld [smem:$0x3FFC];
	_ =	sdelay $0x3  }
0x9a: {  	_ =	strace s4  }
0x9b: {  	s4 =	sld [smem:$0x3FFD];
	_ =	sdelay $0x3  }
0x9c: {  	_ =	strace s4  }
0x9d: {  	_ =	strace $0x8FFFFFFF  }
0x9e: {  	s18 =	sld [smem:$0x3FDB];
	_ =	sdelay $0x1  }
0x9f: {  	s19 =	simm.s32 $_scs_section_size  }
0xa0: {  	s6 =	simm.s32 $_size__tile_overlayer_lowered;
	s7 =	simm.s32 $_tile_overlayer_lowered  }
0xa1: {  	s22 =	simm.s32 $0x1BFF;
	s21 =	sshll.u32 s7, $0x1;
	s4 =	sadd.s32 s19, s18  }
0xa2: {  	s8 =	simm.s32 $0x0;
	s20 =	sshll.u32 s6, $0x1;
	s6 =	sadd.s32 s21, s4  }
0xa3: {  	[timem:s8], [sflag:s22] =	dma.local [hbm:s6], s20  }
0xa4: {  	_ =	swait.ge [sflag:s22], s20  }
0xa5: {  	s5 =	ssub.s32 $0x0, s20;
	[sflag:s22] =	ssyncset.done $0x0  }
0xa6: {  	[sflag:s22] =	ssyncadd.s32 s5;
	_ =	sdelay $0x1  }
0xa7: {  	s23 =	simm.s32 $0x1B8B  }
0xa8: {  	_ =	swait.ge [sflag:s23], $0x1  }
0xa9: {  	[sflag:s23] =	ssyncset.done $0x0  }
0xaa: {  	s25 =	simm.s32 $0x1B8E;
	s24 =	sld [smem:$0x3FFE];
	[sflag:s23] =	ssyncadd.s32 $0xFFFFFFFF  }
0xab: {  	s26 =	simm.s32 $execute0_lowered;
	[smem:$0x3FD2] =	sst s25  }
0xac: {  	s6 =	sshll.u32 s26, $0x1;
	_ =	strace $0x80000046;
	[dreg:$0x1] =	wrdreg $0xFFFFFFFF  }
0xad: {  	s28 =	simm.s32 $_size_execute0_lowered;
	s4 =	sadd.s32 s4, s6;
	[dreg:$0x0] =	wrdreg $0x0  }
0xae: {  	s6 =	sshll.u32 s28, $0x1;
	[dreg:$0x2] =	wrdreg s4  }
0xaf: {  	[dreg:$0x3] =	wrdreg s6  }
0xb0: {  	[dreg:$0x4] =	wrdreg $0xC0  }
0xb1: {  	_ =	task [dreg:s8], $0x5FFFF  }
0xb2: {  	[dreg:$0x1] =	wrdreg $0xFFFFFFFF  }
0xb3: {  	[dreg:$0x0] =	wrdreg $0x60  }
0xb4: {  	[dreg:$0x2] =	wrdreg s15  }
0xb5: {  	[dreg:$0x3] =	wrdreg s16  }
0xb6: {  	[dreg:$0x4] =	wrdreg s24  }
0xb7: {  	[dreg:$0x5] =	wrdreg $0x124000  }
0xb8: {  	[dreg:$0x6] =	wrdreg $0x144000  }
0xb9: {  	[dreg:$0x7] =	wrdreg $0x9  }
0xba: {  	_ =	task.clear_ibuf [dreg:s8], $0x8FFFF;
	_ =	strace $0x90000046  }
0xbb: {  	s29 =	simm.s32 $0x9;
	_ =	strace $0x80000048  }
0xbc: {  	_ =	swait.ge [sflag:s29], $0x1  }
0xbd: {  	[sflag:s29] =	ssyncadd.s32 $0xFFFFFFFF  }
0xbe: {  	_ =	strace $0x90000048  }
0xbf: {  	_ =	sfence  }
0xc0: {  	s30 =	sld [smem:$0x0];
	_ =	sdelay $0x2  }
0xc1: {  	s31 =	sshll.u32 s1, $0xD;
	s1 =	sshrl.u32 s1, $0x2  }
0xc2: {  	s3 =	sand.u32 $0x4000, s31;
	s1 =	sadd.s32 s1, s30  }
0xc3: {  	s0 =	sor.u32 s3, s0;
	s1 =	sshll.u32 s1, $0x11  }
0xc4: {  	s0 =	sor.u32 s1, s0  }
0xc5: {  	s0 =	sadd.s32 $0x8F2B, s0  }
0xc6: {  	[sflag:s0] =	ssyncadd.remote.s32 $0x1  }
0xc7: {  	_ =	sfence.sel $0xFFFF  }
0xc8: {  	[dreg:$0x0] =	wrdreg $0xFFFFFFFF;
	(pc) =	sbr.abs _section_cstart, $3  }
0xc9: {  	[dreg:$0x1] =	wrdreg $0xFFFFFFFF  }
0xca: {  	_ =	task.clear_ibuf [dreg:s8], $0x2FFFF;
	_ =	strace $0x9FFFFFFF  }
0xcb: {  	(tm) =	ssettm $0x7FFFFFFF  }
tec
execute0_lowered:
.L_overlay_start_1:
0x0: {  	(tag) =	ssettag $0x1  }
0x1: {  	s0 =	rddreg [dreg:$0x0]  }
0x2: {  	s1 =	rddreg [dreg:$0x1]  }
0x3: {  	s7 =	rddreg [dreg:$0x2]  }
0x4: {  	s3 =	srdreg.scid;
	s2 =	rddreg [dreg:$0x3]  }
0x5: {  	s12 =	stileid.u32;
	s17 =	simm.s32 $0x400;
	s18 =	simm.s32 $0x4400  }
0x6: {  	s19 =	simm.s32 $0x8400;
	s20 =	simm.s32 $0xC400;
	s21 =	simm.s32 $0x5  }
0x7: {  	s29 =	simm.s32 $0x3;
	s28 =	simm.s32 $0x380;
	s30 =	simm.s32 $0x0  }
0x8: {  	s6 =	sand.u32 $0x1, s3;
	s3 =	rddreg [dreg:$0x4];
	s5 =	sshll.u32 s12, $0x6  }
0x9: {  	s13 =	sshll.u32 s12, $0xD;
	s4 =	sshll.u32 s6, $0x4;
	s10 =	sand.u32 $0x40, s5  }
0xa: {  	s22 =	sshll.u32 s6, $0x11;
	s23 =	ssub.s32 $0x2, s6;
	s8 =	sor.u32 s12, s4  }
0xb: {  	s4 =	simm.s32 $0x0;
	s26 =	sshrl.u32 s23, $0x1;
	s12 =	sadd.s32 s13, s2  }
0xc: {  	s9 =	sshll.u32 s8, $0x6;
	[smem:$0x7FF] =	sst s4;
	s24 =	sshll.u32 s8, $0xD  }
0xd: {  	s16 =	ssub.s32 s23, s26;
	s23 =	simm.s32 $0x10400;
	s26 =	simm.s32 $0x2  }
0xe: {  	s9 =	sand.u32 $0x780, s9;
	_ =	strace $0x80000047;
	s6 =	sadd.s32 s0, s24  }
0xf: {  	s16 =	smax.u32 s16, $0x1;
	s24 =	simm.s32 $0x1;
	s0 =	simm.s32 $0x4  }
0x10: {  	s10 =	sor.u32 s10, s9;
	s9 =	sor.u32 s13, s22;
	s8 =	sadd.s32 $0x1000, s6  }
0x11: {  	s13 =	sadd.s32 s13, s3;
	s22 =	simm.s32 $0x200;
	s11 =	sadd.s32 s10, s7  }
0x12: {  	s25 =	sshrl.u32 s9, $0x3;
	s9 =	sadd.s32 $0x1800, s6;
	s10 =	sadd.s32 s1, s10  }
0x13: {  	s31 =	sadd.s32 s25, s7;
	s7 =	sadd.s32 $0x800, s6;
	s11 =	sadd.s32 $0x1600, s11  }
0x14: {  	v0 =	vimm.f32 $0.0e+00;
	s25 =	simm.s32 $0x80;
	s14 =	sadd.s32 $0x1E00, s31;
	s15 =	sadd.s32 $0x9E00, s31  }
.LBB2_1:
0x15: {  	[tilespmem:s17], [sflag:$0x1] =	stream.linear.gather [hbm4b:s6+s4], $0x4000, $0x38;
	[tilespmem:$0x16400] =	vst v63  }
0x16: {  	_ = 	snop  }
0x17: {  	[tilespmem:s18], [sflag:$0x2] =	stream.linear.gather [hbm4b:s7+s4], $0x4000, $0x38;
	[tilespmem:$0x16400] =	vst v63  }
0x18: {  	_ = 	snop  }
0x19: {  	[tilespmem:s19], [sflag:$0x3] =	stream.linear.gather [hbm4b:s8+s4], $0x4000, $0x38;
	[tilespmem:$0x16400] =	vst v63  }
0x1a: {  	_ = 	snop  }
0x1b: {  	[tilespmem:s20], [sflag:$0x4] =	stream.linear.gather [hbm4b:s9+s4], $0x4000, $0x38;
	[tilespmem:$0x16400] =	vst v63  }
0x1c: {  	_ = 	snop  }
0x1d: {  	[tilespmem:s4], [sflag:$0x5] =	stream.linear.gather [hbm4b:s10+s4], $0x200, $0x38;
	[tilespmem:$0x16400] =	vst v63  }
0x1e: {  	_ =	swait.ge [sflag:s21], $0x200  }
0x1f: {  	[sflag:s21] =	ssyncset.done $0x0  }
0x20: {  	[sflag:s21] =	ssyncadd.s32 $0xFFFFFE00  }
0x21: {  	[tilespmem:s22], [sflag:$0x5] =	stream.linear.gather [hbm4b:s11+s4], $0x200, $0x38;
	[tilespmem:$0x16400] =	vst v63  }
0x22: {  	_ =	swait.ge [sflag:s21], $0x200  }
0x23: {  	[sflag:s21] =	ssyncset.done $0x0  }
0x24: {  	s31 =	simm.s32 $0x0;
	s1 =	simm.s32 $0x200;
	[sflag:s21] =	ssyncadd.s32 $0xFFFFFE00  }
.LBB2_2:
0x25: {  	p0 =	sne.s32 s1, $0x7E00;
	[tilespmem:s31+$0x10470] =	vst v0  }
0x26: {  	[tilespmem:s31+$0x10400] =	vst v0  }
0x27: {  	[tilespmem:s31+$0x10410] =	vst v0  }
.Ltmp0:
0x28: {  	[tilespmem:s31+$0x10420] =	vst v0;
	(pc) =	sbr.rel @p0 .LBB2_2-.Ltmp0, $4  }
0x29: {  	[tilespmem:s31+$0x10430] =	vst v0  }
0x2a: {  	[tilespmem:s31+$0x10440] =	vst v0  }
0x2b: {  	[tilespmem:s31+$0x10450] =	vst v0  }
0x2c: {  	[tilespmem:s31+$0x10460] =	vst v0;
	s31 =	sshra.s32 s1, $0x2;
	s1 =	sadd.s32 $0x200, s1  }
0x2d: {  	[tilespmem:s31+$0x10470] =	vst v0  }
0x2e: {  	[tilespmem:s31+$0x10400] =	vst v0  }
0x2f: {  	[tilespmem:s31+$0x10410] =	vst v0  }
0x30: {  	[tilespmem:s31+$0x10420] =	vst v0  }
0x31: {  	[tilespmem:s31+$0x10430] =	vst v0  }
0x32: {  	[tilespmem:s31+$0x10440] =	vst v0  }
0x33: {  	[tilespmem:s31+$0x10450] =	vst v0  }
0x34: {  	[tilespmem:s31+$0x10460] =	vst v0  }
0x35: {  	[spmem:s12] =	stream.linear.scatter [tilespmem:s23], [sflag:$0x5], $0x2000, $0x38;
	[tilespmem:$0x16400] =	vst v63  }
0x36: {  	_ =	swait.ge [sflag:s21], $0x2000  }
0x37: {  	[sflag:s21] =	ssyncset.done $0x0  }
0x38: {  	[sflag:s21] =	ssyncadd.s32 $0xFFFFE000  }
0x39: {  	[spmem:s13] =	stream.linear.scatter [tilespmem:s23], [sflag:$0x5], $0x2000, $0x38;
	[tilespmem:$0x16400] =	vst v63  }
0x3a: {  	_ =	swait.ge [sflag:s21], $0x2000  }
0x3b: {  	[sflag:s21] =	ssyncset.done $0x0  }
0x3c: {  	[sflag:s21] =	ssyncadd.s32 $0xFFFFE000  }
0x3d: {  	[bflag:$0x0] =	sbarrier.arrive $0xFFFF  }
0x3e: {  	_ =	swait.ge [sflag:s24], $0x4000  }
0x3f: {  	[sflag:s24] =	ssyncset.done $0x0  }
0x40: {  	[sflag:s24] =	ssyncadd.s32 $0xFFFFC000  }
0x41: {  	[spmem:s2] =	stream.indirect.scatter.add.f32 [tilespmem:s17], [sflag:$0x5], $0x80, s4, s25, $0xb8;
	[tilespmem:$0x16400] =	vst v63  }
0x42: {  	_ =	swait.ge [sflag:s21], $0x4000  }
0x43: {  	[sflag:s21] =	ssyncset.done $0x0  }
0x44: {  	[sflag:s21] =	ssyncadd.s32 $0xFFFFC000  }
0x45: {  	[spmem:s3] =	stream.indirect.scatter.add.f32 [tilespmem:s17], [sflag:$0x5], $0x80, s22, s25, $0xb8;
	[tilespmem:$0x16400] =	vst v63  }
0x46: {  	_ =	swait.ge [sflag:s21], $0x4000  }
0x47: {  	[sflag:s21] =	ssyncset.done $0x0  }
0x48: {  	[sflag:s21] =	ssyncadd.s32 $0xFFFFC000  }
0x49: {  	_ =	swait.ge [sflag:s26], $0x4000  }
0x4a: {  	[sflag:s26] =	ssyncset.done $0x0  }
0x4b: {  	[sflag:s26] =	ssyncadd.s32 $0xFFFFC000  }
0x4c: {  	[spmem:s2] =	stream.indirect.scatter.add.f32 [tilespmem:s18], [sflag:$0x5], $0x80, s25, s25, $0xb8;
	[tilespmem:$0x16400] =	vst v63  }
0x4d: {  	_ =	swait.ge [sflag:s21], $0x4000  }
0x4e: {  	[sflag:s21] =	ssyncset.done $0x0  }
0x4f: {  	s1 =	simm.s32 $0x280;
	[sflag:s21] =	ssyncadd.s32 $0xFFFFC000  }
0x50: {  	[spmem:s3] =	stream.indirect.scatter.add.f32 [tilespmem:s18], [sflag:$0x5], $0x80, s1, s25, $0xb8;
	[tilespmem:$0x16400] =	vst v63  }
0x51: {  	_ =	swait.ge [sflag:s21], $0x4000  }
0x52: {  	[sflag:s21] =	ssyncset.done $0x0  }
0x53: {  	[sflag:s21] =	ssyncadd.s32 $0xFFFFC000  }
0x54: {  	_ =	swait.ge [sflag:s29], $0x4000  }
0x55: {  	[sflag:s29] =	ssyncset.done $0x0  }
0x56: {  	s31 =	simm.s32 $0x100;
	[sflag:s29] =	ssyncadd.s32 $0xFFFFC000  }
0x57: {  	[spmem:s2] =	stream.indirect.scatter.add.f32 [tilespmem:s19], [sflag:$0x5], $0x80, s31, s25, $0xb8;
	[tilespmem:$0x16400] =	vst v63  }
0x58: {  	_ =	swait.ge [sflag:s21], $0x4000  }
0x59: {  	[sflag:s21] =	ssyncset.done $0x0  }
0x5a: {  	s31 =	simm.s32 $0x300;
	[sflag:s21] =	ssyncadd.s32 $0xFFFFC000  }
0x5b: {  	[spmem:s3] =	stream.indirect.scatter.add.f32 [tilespmem:s19], [sflag:$0x5], $0x80, s31, s25, $0xb8;
	[tilespmem:$0x16400] =	vst v63  }
0x5c: {  	_ =	swait.ge [sflag:s21], $0x4000  }
0x5d: {  	[sflag:s21] =	ssyncset.done $0x0  }
0x5e: {  	[sflag:s21] =	ssyncadd.s32 $0xFFFFC000  }
0x5f: {  	_ =	swait.ge [sflag:s0], $0x4000  }
0x60: {  	[sflag:s0] =	ssyncset.done $0x0  }
0x61: {  	s31 =	simm.s32 $0x180;
	[sflag:s0] =	ssyncadd.s32 $0xFFFFC000  }
0x62: {  	[spmem:s2] =	stream.indirect.scatter.add.f32 [tilespmem:s20], [sflag:$0x5], $0x80, s31, s25, $0xb8;
	[tilespmem:$0x16400] =	vst v63  }
0x63: {  	_ =	swait.ge [sflag:s21], $0x4000  }
0x64: {  	[sflag:s21] =	ssyncset.done $0x0  }
0x65: {  	[sflag:s21] =	ssyncadd.s32 $0xFFFFC000  }
0x66: {  	[spmem:s3] =	stream.indirect.scatter.add.f32 [tilespmem:s20], [sflag:$0x5], $0x80, s28, s25, $0xb8;
	[tilespmem:$0x16400] =	vst v63  }
0x67: {  	_ =	swait.ge [sflag:s21], $0x4000  }
0x68: {  	[sflag:s21] =	ssyncset.done $0x0  }
0x69: {  	[sflag:s21] =	ssyncadd.s32 $0xFFFFC000  }
0x6a: {  	s1 =	sor.u32 $0x1C05, s5;
	s31 =	sshrl.u32 s12, $0x3;
	[bflag:$0x0] =	sbarrier.arrive $0xFFFF  }
0x6b: {  	[hbm:s14], [sflag:s1] =	dma.local [spmem:s31], $0x400  }
0x6c: {  	s30 =	sadd.s32 $0x1, s30;
	_ =	swait.ge [sflag:s21], $0x400  }
0x6d: {  	p0 =	sne.s32 s30, s16;
	[sflag:s21] =	ssyncset.done $0x0  }
.Ltmp1:
0x6e: {  	s31 =	sshrl.u32 s13, $0x3;
	[sflag:s21] =	ssyncadd.s32 $0xFFFFFC00;
	(pc) =	sbr.rel @p0 .LBB2_1-.Ltmp1, $4  }
0x6f: {  	[hbm:s15], [sflag:s1] =	dma.local [spmem:s31], $0x400  }
0x70: {  	_ =	swait.ge [sflag:s21], $0x400  }
0x71: {  	[sflag:s21] =	ssyncset.done $0x0  }
0x72: {  	[sflag:s21] =	ssyncadd.s32 $0xFFFFFC00  }
0x73: {  	_ =	sfence.sel $0x180000  }
0x74: {  	[bflag:$0x0] =	sbarrier.arrive $0xFFFF  }
0x75: {  	_ =	strace $0x90000047  }
0x76: {  	s0 =	stileid.u32;
	[bflag:$0x2] =	sbarrier.arrive $0xFFFF  }
0x77: {  	p0 =	sne.s32 s0, $0x0;
	s0 =	rddreg [dreg:$0x5]  }
0x78: {  	s0 =	sadd.s32 @!p0 $0x100000, s0  }
0x79: {  	[sflag:s0] =	ssyncadd.tile.s32 @!p0 $0x1;
	_ =	shalt  }
.Lfunc_end2:
_tile_overlayer_lowered:
.L_overlay_start_2:
0x7a: {  	(tag) =	ssettag $0x2  }
0x7b: {  	s0 =	rddreg [dreg:$0x0];
	s2 =	stileid.u32  }
0x7c: {  	s1 =	rddreg [dreg:$0x1];
	p0 =	sne.s32 s2, $0x0  }
0x7d: {  	s3 =	rddreg [dreg:$0x2];
	[bflag:$0x3] =	sbarrier.arrive $0xFFFF;
	s2 =	simm.s32 @!p0 $0x1C05  }
0x7e: {  	[timem:s3], [sflag:s2] =	dma.local @!p0 [hbm:s0], s1  }
0x7f: {  	s0 =	simm.s32 @!p0 $0x5  }
0x80: {  	_ =	swait.ge @!p0 [sflag:s0], s1  }
0x81: {  	s1 =	ssub.s32 @!p0 $0x0, s1;
	[sflag:s0] =	ssyncset.done @!p0 $0x0  }
0x82: {  	[sflag:s0] =	ssyncadd.s32 @!p0 s1  }
0x83: {  	[bflag:$0x3] =	sbarrier.arrive $0xFFFF  }
0x84: {  	_ =	shalt  }

</sc_bundles>
